<compile_context>
chip_gen: v7x
topology: tpu7x:2x2x1
jax: 0.10.2.dev20260603
libtpu: 0.0.44.dev20260713+nightly
codegen_flags: <defaults>
</compile_context>

<pallas_src>
import functools

import jax
import jax.numpy as jnp
from jax import lax
from jax.experimental import pallas as pl
from jax.experimental.pallas import tpu as pltpu
from jax.experimental.pallas import tpu_sc as plsc

N = 10000
E = 320000
D = 128

NC = 2
NS = 16
NW = NC * NS

CHUNK = 128
E_PAD = 327680
A0 = 120
A1 = (E_PAD // CHUNK - A0 * NS) // NS
EPW0 = A0 * CHUNK
EPW1 = A1 * CHUNK
ACC_R = 10112
ROWS_PER_TILE = ACC_R // NS
DUMMY_ROW = N

BE = 2560
N_REAL_BLOCKS = E // BE
N_BLOCKS = E_PAD // BE



def _bn_body(x_ref, g_ref, b_ref, o_ref):
    x = x_ref[...]
    mu = jnp.mean(x, axis=0)
    var = jnp.mean((x - mu) ** 2, axis=0)
    scale = g_ref[...] * lax.rsqrt(var + 1e-5)
    o_ref[...] = x * scale + (b_ref[...] - mu * scale)


def _bn(x, g, b):
    return pl.pallas_call(
        _bn_body,
        out_shape=jax.ShapeDtypeStruct((N, D), jnp.float32),
    )(x, g, b)


def _proj_body(ea_ref, w0_ref, b0_ref, w1_ref, b1_ref, p0_ref, p1_ref):
    ea = ea_ref[...]
    p0_ref[...] = jnp.dot(ea, w0_ref[...], preferred_element_type=jnp.float32) + b0_ref[...]
    p1_ref[...] = jnp.dot(ea, w1_ref[...], preferred_element_type=jnp.float32) + b1_ref[...]


def _proj(edge_attr, w0t, b0, w1t, b1):
    return pl.pallas_call(
        _proj_body,
        grid=(N_BLOCKS,),
        in_specs=[
            pl.BlockSpec((BE, D), lambda i: (jnp.minimum(i, N_REAL_BLOCKS - 1), 0)),
            pl.BlockSpec((D, D), lambda i: (0, 0)),
            pl.BlockSpec((D,), lambda i: (0,)),
            pl.BlockSpec((D, D), lambda i: (0, 0)),
            pl.BlockSpec((D,), lambda i: (0,)),
        ],
        out_specs=[
            pl.BlockSpec((BE, D), lambda i: (i, 0)),
            pl.BlockSpec((BE, D), lambda i: (i, 0)),
        ],
        out_shape=[
            jax.ShapeDtypeStruct((E_PAD, D), jnp.float32),
            jax.ShapeDtypeStruct((E_PAD, D), jnp.float32),
        ],
    )(edge_attr, w0t, b0, w1t, b1)


def _node_body(x_ref, part_ref, wt_ref, b_ref, g_ref, bb_ref, o_ref):
    h = x_ref[...] + part_ref[0, :N, :] + part_ref[1, :N, :]
    y = jnp.tanh(jnp.dot(h, wt_ref[...], preferred_element_type=jnp.float32) + b_ref[...])
    mu = jnp.mean(y, axis=0)
    var = jnp.mean((y - mu) ** 2, axis=0)
    scale = g_ref[...] * lax.rsqrt(var + 1e-5)
    o_ref[...] = y * scale + (bb_ref[...] - mu * scale)


def _node(x, part, wt, b, g, bb):
    return pl.pallas_call(
        _node_body,
        out_shape=jax.ShapeDtypeStruct((N, D), jnp.float32),
    )(x, part, wt, b, g, bb)


def _node_final_body(x_ref, part_ref, wt_ref, b_ref, g_ref, bb_ref, fc_ref,
                     o2_ref, o3_ref):
    h = x_ref[...] + part_ref[0, :N, :] + part_ref[1, :N, :]
    y = jnp.tanh(jnp.dot(h, wt_ref[...], preferred_element_type=jnp.float32) + b_ref[...])
    mu = jnp.mean(y, axis=0)
    var = jnp.mean((y - mu) ** 2, axis=0)
    scale = g_ref[...] * lax.rsqrt(var + 1e-5)
    x2 = y * scale + (bb_ref[...] - mu * scale)
    o2_ref[...] = x2
    o3_ref[...] = jnp.tanh(jnp.dot(x2, fc_ref[...], preferred_element_type=jnp.float32))


def _node_final(x, part, wt, b, g, bb, fct):
    return pl.pallas_call(
        _node_final_body,
        out_shape=[
            jax.ShapeDtypeStruct((N, D), jnp.float32),
            jax.ShapeDtypeStruct((N, D), jnp.float32),
        ],
    )(x, part, wt, b, g, bb, fct)



def _edge_body(x_hbm, p_hbm, src_hbm, dst_hbm, zeros_hbm, out_hbm,
               srcb, dstb, pbuf, xg0, xg1, acc,
               isem0, isem1, psem, gsem0, gsem1, ssem0, ssem1):
    c = lax.axis_index("c")
    s = lax.axis_index("s")

    r0 = s * ROWS_PER_TILE
    pltpu.sync_copy(zeros_hbm.at[pl.ds(r0, ROWS_PER_TILE)],
                    acc.at[pl.ds(r0, ROWS_PER_TILE)])

    xg = [xg0, xg1]
    isem = [isem0, isem1]
    gsem = [gsem0, gsem1]
    ssem = [ssem0, ssem1]

    nchunks = jnp.where(c == 0, A0, A1)
    base = pl.multiple_of(
        jnp.where(c == 0, s * EPW0, NS * EPW0 + s * EPW1), CHUNK)
    irow0 = jnp.where(c == 0, s * A0, NS * A0 + s * A1)

    def issue_idx(k, b, q):
        pltpu.async_copy(src_hbm.at[pl.ds(irow0 + k, 1)],
                         srcb.at[q], isem[b])
        pltpu.async_copy(dst_hbm.at[pl.ds(irow0 + k, 1)],
                         dstb.at[q], isem[b])

    def wait_idx(b):
        pltpu.make_async_copy(src_hbm.at[pl.ds(irow0, 1)],
                              srcb.at[0], isem[b]).wait()
        pltpu.make_async_copy(dst_hbm.at[pl.ds(irow0, 1)],
                              dstb.at[0], isem[b]).wait()

    def issue_p(k):
        pltpu.async_copy(p_hbm.at[pl.ds(base + k * CHUNK, CHUNK)], pbuf, psem)

    def wait_p():
        pltpu.make_async_copy(p_hbm.at[pl.ds(base, CHUNK)], pbuf, psem).wait()

    def issue_gather(k, b, q):
        pltpu.async_copy(x_hbm.at[srcb.at[q, 0]], xg[b], gsem[b])

    def wait_gather(b):
        pltpu.make_async_copy(x_hbm.at[srcb.at[0, 0]], xg[b], gsem[b]).wait()

    def issue_scatter(b, q):
        pltpu.async_copy(xg[b], acc.at[dstb.at[q, 0]], ssem[b], add=True)

    def wait_scatter(b):
        pltpu.make_async_copy(xg[b], acc.at[dstb.at[0, 0]], ssem[b]).wait()

    issue_idx(0, 0, 0)
    issue_idx(1, 1, 1)
    issue_p(0)
    plsc.subcore_barrier()
    wait_idx(0)
    issue_gather(0, 0, 0)

    def outer(kk, carry):
        for b in range(2):
            k = 2 * kk + b
            q = lax.rem(k, 3)
            qn = lax.rem(k + 1, 3)
            qf = lax.rem(k + 2, 3)

            wait_gather(b)
            wait_p()

            def row_body(i, carry2):
                for j in range(D // 16):
                    sl = pl.ds(j * 16, 16)
                    xg[b][i, sl] = jnp.maximum(xg[b][i, sl] + pbuf[i, sl], 0.0)
                return carry2

            lax.fori_loop(0, CHUNK, row_body, 0, unroll=False)

            issue_scatter(b, q)

            @pl.when(k + 1 < nchunks)
            def _():
                issue_p(k + 1)
                wait_idx(1 - b)

                @pl.when(k >= 1)
                def _():
                    wait_scatter(1 - b)
                issue_gather(k + 1, 1 - b, qn)

            @pl.when(k + 2 < nchunks)
            def _():
                issue_idx(k + 2, b, qf)
        return carry

    lax.fori_loop(0, nchunks // 2, outer, 0, unroll=False)

    wait_scatter(0)
    wait_scatter(1)
    plsc.subcore_barrier()
    pltpu.sync_copy(acc.at[pl.ds(r0, ROWS_PER_TILE)],
                    out_hbm.at[c, pl.ds(r0, ROWS_PER_TILE)])


@functools.partial(jax.jit, static_argnames=())
def _edge_sc(x, p, src2, dst2, zeros):
    mesh = plsc.VectorSubcoreMesh(core_axis_name="c", subcore_axis_name="s")
    return pl.kernel(
        _edge_body,
        out_type=jax.ShapeDtypeStruct((NC, ACC_R, D), jnp.float32),
        mesh=mesh,
        scratch_types=[
            pltpu.VMEM((3, 1, 128), jnp.int32),
            pltpu.VMEM((3, 1, 128), jnp.int32),
            pltpu.VMEM((CHUNK, D), jnp.float32),
            pltpu.VMEM((CHUNK, D), jnp.float32),
            pltpu.VMEM((CHUNK, D), jnp.float32),
            pltpu.VMEM_SHARED((ACC_R, D), jnp.float32),
            pltpu.SemaphoreType.DMA,
            pltpu.SemaphoreType.DMA,
            pltpu.SemaphoreType.DMA,
            pltpu.SemaphoreType.DMA,
            pltpu.SemaphoreType.DMA,
            pltpu.SemaphoreType.DMA,
            pltpu.SemaphoreType.DMA,
        ],
    )(x, p, src2, dst2, zeros)



def kernel(X, edge_index, edge_attr, bn_in_g, bn_in_b, W_e0, b_e0, W_nn0,
           b_nn0, bn0_g, bn0_b, W_e1, b_e1, W_nn1, b_nn1, bn1_g, bn1_b, fc_W):
    src = edge_index[0]
    dst = edge_index[1]
    pad = E_PAD - E
    pad_dst = DUMMY_ROW + jnp.arange(pad, dtype=jnp.int32) % (ACC_R - N)
    src2 = jnp.concatenate([src, jnp.zeros((pad,), jnp.int32)]).reshape(-1, 128)
    dst2 = jnp.concatenate([dst, pad_dst]).reshape(-1, 128)
    zeros = jnp.zeros((ACC_R, D), jnp.float32)

    x0 = _bn(X, bn_in_g, bn_in_b)
    p0, p1 = _proj(edge_attr, W_e0.T, b_e0, W_e1.T, b_e1)

    part0 = _edge_sc(x0, p0, src2, dst2, zeros)
    x1 = _node(x0, part0, W_nn0.T, b_nn0, bn0_g, bn0_b)

    part1 = _edge_sc(x1, p1, src2, dst2, zeros)
    x2, x3 = _node_final(x1, part1, W_nn1.T, b_nn1, bn1_g, bn1_b, fc_W.T)

    return jnp.concatenate([x1, x2, x3], axis=-1)

# --- scband reference (transcript-rebuilt; emitter-appended) ---
"""Pipeline reference for scband-gine-26594437497281 (READ-ONLY COPY).

The authoritative reference and input builder live on the scoring server;
editing this copy changes nothing except your own understanding.
"""

import jax, jax.numpy as jnp
import numpy as np

N = 10000
E = 320000
D = 128

def _bn(x, g, b):
    mu = jnp.mean(x, axis=0)
    var = jnp.var(x, axis=0)
    return (x - mu) / jnp.sqrt(var + 1e-5) * g + b

def _gine_conv(x, edge_index, edge_attr, W_e, b_e, W_nn, b_nn):
    src = edge_index[0]
    dst = edge_index[1]
    m = jax.nn.relu(x[src] + edge_attr @ W_e.T + b_e)
    agg = jax.ops.segment_sum(m, dst, num_segments=x.shape[0])
    h = x + agg  # (1 + eps) * x with eps = 0
    return jnp.tanh(h @ W_nn.T + b_nn)

def setup_inputs(seed: int = 0):
    key = jax.random.key(seed)
    ks = jax.random.split(key, 10)
    def w(k, shape):
        return jax.random.normal(k, shape, dtype=jnp.float32) * 0.05
    inp = {}
    inp["X"] = jax.random.normal(ks[0], (N, D), dtype=jnp.float32)
    inp["edge_index"] = jax.random.randint(ks[1], (2, E), 0, N, dtype=jnp.int32)
    inp["edge_attr"] = jax.random.normal(ks[2], (E, D), dtype=jnp.float32)
    inp["bn_in_g"] = jnp.ones((D,), jnp.float32)
    inp["bn_in_b"] = jnp.zeros((D,), jnp.float32)
    inp["W_e0"] = w(ks[3], (D, D)); inp["b_e0"] = jnp.zeros((D,), jnp.float32)
    inp["W_nn0"] = w(ks[4], (D, D)); inp["b_nn0"] = jnp.zeros((D,), jnp.float32)
    inp["bn0_g"] = jnp.ones((D,), jnp.float32); inp["bn0_b"] = jnp.zeros((D,), jnp.float32)
    inp["W_e1"] = w(ks[5], (D, D)); inp["b_e1"] = jnp.zeros((D,), jnp.float32)
    inp["W_nn1"] = w(ks[6], (D, D)); inp["b_nn1"] = jnp.zeros((D,), jnp.float32)
    inp["bn1_g"] = jnp.ones((D,), jnp.float32); inp["bn1_b"] = jnp.zeros((D,), jnp.float32)
    inp["fc_W"] = w(ks[7], (D, D))
    return inp

def reference(X, edge_index, edge_attr, bn_in_g, bn_in_b, W_e0, b_e0, W_nn0, b_nn0, bn0_g, bn0_b, W_e1, b_e1, W_nn1, b_nn1, bn1_g, bn1_b, fc_W):
    x0 = _bn(X, bn_in_g, bn_in_b)
    x1 = _bn(_gine_conv(x0, edge_index, edge_attr, W_e0, b_e0, W_nn0, b_nn0), bn0_g, bn0_b)
    x2 = _bn(_gine_conv(x1, edge_index, edge_attr, W_e1, b_e1, W_nn1, b_nn1), bn1_g, bn1_b)
    x3 = jnp.tanh(x2 @ fc_W.T)
    return jnp.concatenate([x1, x2, x3], axis=-1)

if __name__ == "__main__":
    import jax
    _d = setup_inputs()
    print(jax.jit(kernel)(*tuple(_d.values())))

</pallas_src>

<mosaic_0001>
#map = affine_map<(d0, d1) -> (0, 0)>
#map1 = affine_map<(d0, d1) -> (0, 0, 0)>
module attributes {stable_mosaic.version = 14 : i64} {
  func.func @_edge_body(%arg0: i32, %arg1: i32, %arg2: memref<10000x128xf32, #tpu.memory_space<hbm>>, %arg3: memref<327680x128xf32, #tpu.memory_space<hbm>>, %arg4: memref<2560x128xi32, #tpu.memory_space<hbm>>, %arg5: memref<2560x128xi32, #tpu.memory_space<hbm>>, %arg6: memref<10112x128xf32, #tpu.memory_space<hbm>>, %arg7: memref<2x10112x128xf32, #tpu.memory_space<hbm>>, %arg8: memref<3x1x128xi32, #tpu.memory_space<vmem>>, %arg9: memref<3x1x128xi32, #tpu.memory_space<vmem>>, %arg10: memref<128x128xf32, #tpu.memory_space<vmem>>, %arg11: memref<128x128xf32, #tpu.memory_space<vmem>>, %arg12: memref<128x128xf32, #tpu.memory_space<vmem>>, %arg13: memref<10112x128xf32, #tpu.memory_space<vmem_shared>>, %arg14: memref<!tpu.dma_semaphore, #tpu.memory_space<semaphore_mem>>, %arg15: memref<!tpu.dma_semaphore, #tpu.memory_space<semaphore_mem>>, %arg16: memref<!tpu.dma_semaphore, #tpu.memory_space<semaphore_mem>>, %arg17: memref<!tpu.dma_semaphore, #tpu.memory_space<semaphore_mem>>, %arg18: memref<!tpu.dma_semaphore, #tpu.memory_space<semaphore_mem>>, %arg19: memref<!tpu.dma_semaphore, #tpu.memory_space<semaphore_mem>>, %arg20: memref<!tpu.dma_semaphore, #tpu.memory_space<semaphore_mem>>) attributes {dimension_semantics = [#tpu.dimension_semantics<core_parallel>, #tpu.dimension_semantics<subcore_parallel>], iteration_bounds = array<i64: 2, 16>, scalar_prefetch = 0 : i64, scratch_operands = 13 : i64, tpu.core_type = #tpu.core_type<sc_vector_subcore>, window_params = [{transform_indices = #map}, {transform_indices = #map}, {transform_indices = #map}, {transform_indices = #map}, {transform_indices = #map}, {transform_indices = #map1}]} {
    %mul3A = arith.constant 632 : i32
    %mul3A_0 = arith.muli %arg1, %mul3A : i32
    "tpu.region"() ({
      %run_scoped3A = tpu.sem_alloc : memref<!tpu.dma_semaphore, #tpu.memory_space<semaphore_mem>>
      %dma_start3A_162 = arith.constant 0 : i32
      %dma_start3A_163 = tpu.memref_slice %arg13[%mul3A_0, %dma_start3A_162] : memref<10112x128xf32, #tpu.memory_space<vmem_shared>> -> memref<632x128xf32, #tpu.memory_space<vmem_shared>>
      %dma_start3A_164 = arith.constant 0 : i32
      %dma_start3A_165 = tpu.memref_slice %arg6[%mul3A_0, %dma_start3A_164] : memref<10112x128xf32, #tpu.memory_space<hbm>> -> memref<632x128xf32, #tpu.memory_space<hbm>>
      tpu.enqueue_dma source(%dma_start3A_165 : memref<632x128xf32, #tpu.memory_space<hbm>>) target(%dma_start3A_163 : memref<632x128xf32, #tpu.memory_space<vmem_shared>>) target_semaphore(%run_scoped3A : memref<!tpu.dma_semaphore, #tpu.memory_space<semaphore_mem>>)
      %dma_wait3A_166 = arith.constant 0 : i32
      %dma_wait3A_167 = tpu.memref_slice %arg13[%mul3A_0, %dma_wait3A_166] : memref<10112x128xf32, #tpu.memory_space<vmem_shared>> -> memref<632x128xf32, #tpu.memory_space<vmem_shared>>
      %dma_wait3A_168 = arith.constant 0 : i32
      %dma_wait3A_169 = tpu.memref_slice %arg6[%mul3A_0, %dma_wait3A_168] : memref<10112x128xf32, #tpu.memory_space<hbm>> -> memref<632x128xf32, #tpu.memory_space<hbm>>
      tpu.wait_dma2 semaphore(%run_scoped3A : memref<!tpu.dma_semaphore, #tpu.memory_space<semaphore_mem>>) src(%dma_wait3A_169 : memref<632x128xf32, #tpu.memory_space<hbm>>) dst(%dma_wait3A_167 : memref<632x128xf32, #tpu.memory_space<vmem_shared>>)
      tpu.yield
    }) : () -> ()
    %eq3A = arith.constant 0 : i32
    %eq3A_1 = arith.cmpi eq, %arg0, %eq3A : i32
    %jit3A = arith.constant 120 : i32
    %jit3A_2 = arith.constant 40 : i32
    %select_n3A = arith.select %eq3A_1, %jit3A, %jit3A_2 : i32
    %eq3A_3 = arith.constant 0 : i32
    %eq3A_4 = arith.cmpi eq, %arg0, %eq3A_3 : i32
    %mul3A_5 = arith.constant 15360 : i32
    %mul3A_6 = arith.muli %arg1, %mul3A_5 : i32
    %mul3A_7 = arith.constant 5120 : i32
    %mul3A_8 = arith.muli %arg1, %mul3A_7 : i32
    %add3A = arith.constant 245760 : i32
    %add3A_9 = arith.addi %add3A, %mul3A_8 : i32
    %select_n3A_10 = arith.select %eq3A_4, %mul3A_6, %add3A_9 : i32
    %multiple_of3A = tpu.assume_multiple %select_n3A_10, 128 : i32
    %eq3A_11 = arith.constant 0 : i32
    %eq3A_12 = arith.cmpi eq, %arg0, %eq3A_11 : i32
    %mul3A_13 = arith.constant 120 : i32
    %mul3A_14 = arith.muli %arg1, %mul3A_13 : i32
    %mul3A_15 = arith.constant 40 : i32
    %mul3A_16 = arith.muli %arg1, %mul3A_15 : i32
    %add3A_17 = arith.constant 1920 : i32
    %add3A_18 = arith.addi %add3A_17, %mul3A_16 : i32
    %select_n3A_19 = arith.select %eq3A_12, %mul3A_14, %add3A_18 : i32
    %add3A_20 = arith.constant 0 : i32
    %add3A_21 = arith.addi %select_n3A_19, %add3A_20 : i32
    %dma_start3A = arith.constant 0 : i32
    %dma_start3A_22 = arith.constant 0 : i32
    %dma_start3A_23 = arith.constant 0 : i32
    %dma_start3A_24 = tpu.memref_slice %arg8[%dma_start3A, %dma_start3A_22, %dma_start3A_23] : memref<3x1x128xi32, #tpu.memory_space<vmem>> -> memref<1x1x128xi32, #tpu.memory_space<vmem>>
    %dma_start3A_25 = tpu.memref_squeeze %dma_start3A_24 : memref<1x1x128xi32, #tpu.memory_space<vmem>> -> memref<1x128xi32, #tpu.memory_space<vmem>>
    %dma_start3A_26 = arith.constant 0 : i32
    %dma_start3A_27 = tpu.memref_slice %arg4[%add3A_21, %dma_start3A_26] : memref<2560x128xi32, #tpu.memory_space<hbm>> -> memref<1x128xi32, #tpu.memory_space<hbm>>
    %dma_start3A_28 = arith.constant 0 : i32
    %dma_start3A_29 = arith.constant 0 : i32
    %dma_start3A_30 = tpu.memref_slice %arg8[%dma_start3A, %dma_start3A_28, %dma_start3A_29] : memref<3x1x128xi32, #tpu.memory_space<vmem>> -> memref<1x1x128xi32, #tpu.memory_space<vmem>>
    %dma_start3A_31 = tpu.memref_squeeze %dma_start3A_30 : memref<1x1x128xi32, #tpu.memory_space<vmem>> -> memref<1x128xi32, #tpu.memory_space<vmem>>
    %dma_start3A_32 = arith.constant 0 : i32
    %dma_start3A_33 = tpu.memref_slice %arg4[%add3A_21, %dma_start3A_32] : memref<2560x128xi32, #tpu.memory_space<hbm>> -> memref<1x128xi32, #tpu.memory_space<hbm>>
    tpu.enqueue_dma source(%dma_start3A_33 : memref<1x128xi32, #tpu.memory_space<hbm>>) target(%dma_start3A_31 : memref<1x128xi32, #tpu.memory_space<vmem>>) target_semaphore(%arg14 : memref<!tpu.dma_semaphore, #tpu.memory_space<semaphore_mem>>)
    %add3A_34 = arith.constant 0 : i32
    %add3A_35 = arith.addi %select_n3A_19, %add3A_34 : i32
    %dma_start3A_36 = arith.constant 0 : i32
    %dma_start3A_37 = arith.constant 0 : i32
    %dma_start3A_38 = arith.constant 0 : i32
    %dma_start3A_39 = tpu.memref_slice %arg9[%dma_start3A_36, %dma_start3A_37, %dma_start3A_38] : memref<3x1x128xi32, #tpu.memory_space<vmem>> -> memref<1x1x128xi32, #tpu.memory_space<vmem>>
    %dma_start3A_40 = tpu.memref_squeeze %dma_start3A_39 : memref<1x1x128xi32, #tpu.memory_space<vmem>> -> memref<1x128xi32, #tpu.memory_space<vmem>>
    %dma_start3A_41 = arith.constant 0 : i32
    %dma_start3A_42 = tpu.memref_slice %arg5[%add3A_35, %dma_start3A_41] : memref<2560x128xi32, #tpu.memory_space<hbm>> -> memref<1x128xi32, #tpu.memory_space<hbm>>
    %dma_start3A_43 = arith.constant 0 : i32
    %dma_start3A_44 = arith.constant 0 : i32
    %dma_start3A_45 = tpu.memref_slice %arg9[%dma_start3A_36, %dma_start3A_43, %dma_start3A_44] : memref<3x1x128xi32, #tpu.memory_space<vmem>> -> memref<1x1x128xi32, #tpu.memory_space<vmem>>
    %dma_start3A_46 = tpu.memref_squeeze %dma_start3A_45 : memref<1x1x128xi32, #tpu.memory_space<vmem>> -> memref<1x128xi32, #tpu.memory_space<vmem>>
    %dma_start3A_47 = arith.constant 0 : i32
    %dma_start3A_48 = tpu.memref_slice %arg5[%add3A_35, %dma_start3A_47] : memref<2560x128xi32, #tpu.memory_space<hbm>> -> memref<1x128xi32, #tpu.memory_space<hbm>>
    tpu.enqueue_dma source(%dma_start3A_48 : memref<1x128xi32, #tpu.memory_space<hbm>>) target(%dma_start3A_46 : memref<1x128xi32, #tpu.memory_space<vmem>>) target_semaphore(%arg14 : memref<!tpu.dma_semaphore, #tpu.memory_space<semaphore_mem>>)
    %add3A_49 = arith.constant 1 : i32
    %add3A_50 = arith.addi %select_n3A_19, %add3A_49 : i32
    %dma_start3A_51 = arith.constant 1 : i32
    %dma_start3A_52 = arith.constant 0 : i32
    %dma_start3A_53 = arith.constant 0 : i32
    %dma_start3A_54 = tpu.memref_slice %arg8[%dma_start3A_51, %dma_start3A_52, %dma_start3A_53] : memref<3x1x128xi32, #tpu.memory_space<vmem>> -> memref<1x1x128xi32, #tpu.memory_space<vmem>>
    %dma_start3A_55 = tpu.memref_squeeze %dma_start3A_54 : memref<1x1x128xi32, #tpu.memory_space<vmem>> -> memref<1x128xi32, #tpu.memory_space<vmem>>
    %dma_start3A_56 = arith.constant 0 : i32
    %dma_start3A_57 = tpu.memref_slice %arg4[%add3A_50, %dma_start3A_56] : memref<2560x128xi32, #tpu.memory_space<hbm>> -> memref<1x128xi32, #tpu.memory_space<hbm>>
    %dma_start3A_58 = arith.constant 0 : i32
    %dma_start3A_59 = arith.constant 0 : i32
    %dma_start3A_60 = tpu.memref_slice %arg8[%dma_start3A_51, %dma_start3A_58, %dma_start3A_59] : memref<3x1x128xi32, #tpu.memory_space<vmem>> -> memref<1x1x128xi32, #tpu.memory_space<vmem>>
    %dma_start3A_61 = tpu.memref_squeeze %dma_start3A_60 : memref<1x1x128xi32, #tpu.memory_space<vmem>> -> memref<1x128xi32, #tpu.memory_space<vmem>>
    %dma_start3A_62 = arith.constant 0 : i32
    %dma_start3A_63 = tpu.memref_slice %arg4[%add3A_50, %dma_start3A_62] : memref<2560x128xi32, #tpu.memory_space<hbm>> -> memref<1x128xi32, #tpu.memory_space<hbm>>
    tpu.enqueue_dma source(%dma_start3A_63 : memref<1x128xi32, #tpu.memory_space<hbm>>) target(%dma_start3A_61 : memref<1x128xi32, #tpu.memory_space<vmem>>) target_semaphore(%arg15 : memref<!tpu.dma_semaphore, #tpu.memory_space<semaphore_mem>>)
    %add3A_64 = arith.constant 1 : i32
    %add3A_65 = arith.addi %select_n3A_19, %add3A_64 : i32
    %dma_start3A_66 = arith.constant 1 : i32
    %dma_start3A_67 = arith.constant 0 : i32
    %dma_start3A_68 = arith.constant 0 : i32
    %dma_start3A_69 = tpu.memref_slice %arg9[%dma_start3A_66, %dma_start3A_67, %dma_start3A_68] : memref<3x1x128xi32, #tpu.memory_space<vmem>> -> memref<1x1x128xi32, #tpu.memory_space<vmem>>
    %dma_start3A_70 = tpu.memref_squeeze %dma_start3A_69 : memref<1x1x128xi32, #tpu.memory_space<vmem>> -> memref<1x128xi32, #tpu.memory_space<vmem>>
    %dma_start3A_71 = arith.constant 0 : i32
    %dma_start3A_72 = tpu.memref_slice %arg5[%add3A_65, %dma_start3A_71] : memref<2560x128xi32, #tpu.memory_space<hbm>> -> memref<1x128xi32, #tpu.memory_space<hbm>>
    %dma_start3A_73 = arith.constant 0 : i32
    %dma_start3A_74 = arith.constant 0 : i32
    %dma_start3A_75 = tpu.memref_slice %arg9[%dma_start3A_66, %dma_start3A_73, %dma_start3A_74] : memref<3x1x128xi32, #tpu.memory_space<vmem>> -> memref<1x1x128xi32, #tpu.memory_space<vmem>>
    %dma_start3A_76 = tpu.memref_squeeze %dma_start3A_75 : memref<1x1x128xi32, #tpu.memory_space<vmem>> -> memref<1x128xi32, #tpu.memory_space<vmem>>
    %dma_start3A_77 = arith.constant 0 : i32
    %dma_start3A_78 = tpu.memref_slice %arg5[%add3A_65, %dma_start3A_77] : memref<2560x128xi32, #tpu.memory_space<hbm>> -> memref<1x128xi32, #tpu.memory_space<hbm>>
    tpu.enqueue_dma source(%dma_start3A_78 : memref<1x128xi32, #tpu.memory_space<hbm>>) target(%dma_start3A_76 : memref<1x128xi32, #tpu.memory_space<vmem>>) target_semaphore(%arg15 : memref<!tpu.dma_semaphore, #tpu.memory_space<semaphore_mem>>)
    %add3A_79 = arith.constant 0 : i32
    %add3A_80 = arith.addi %multiple_of3A, %add3A_79 : i32
    %dma_start3A_81 = arith.constant 0 : i32
    %dma_start3A_82 = tpu.memref_slice %arg3[%add3A_80, %dma_start3A_81] : memref<327680x128xf32, #tpu.memory_space<hbm>> -> memref<128x128xf32, #tpu.memory_space<hbm>>
    %dma_start3A_83 = arith.constant 0 : i32
    %dma_start3A_84 = tpu.memref_slice %arg3[%add3A_80, %dma_start3A_83] : memref<327680x128xf32, #tpu.memory_space<hbm>> -> memref<128x128xf32, #tpu.memory_space<hbm>>
    tpu.enqueue_dma source(%dma_start3A_84 : memref<128x128xf32, #tpu.memory_space<hbm>>) target(%arg10 : memref<128x128xf32, #tpu.memory_space<vmem>>) target_semaphore(%arg16 : memref<!tpu.dma_semaphore, #tpu.memory_space<semaphore_mem>>)
    %barrier3A = arith.constant 0 : index
    tpu.barrier barrier_id(%barrier3A)
    %dma_wait3A = arith.constant 0 : i32
    %dma_wait3A_85 = arith.constant 0 : i32
    %dma_wait3A_86 = arith.constant 0 : i32
    %dma_wait3A_87 = tpu.memref_slice %arg8[%dma_wait3A, %dma_wait3A_85, %dma_wait3A_86] : memref<3x1x128xi32, #tpu.memory_space<vmem>> -> memref<1x1x128xi32, #tpu.memory_space<vmem>>
    %dma_wait3A_88 = tpu.memref_squeeze %dma_wait3A_87 : memref<1x1x128xi32, #tpu.memory_space<vmem>> -> memref<1x128xi32, #tpu.memory_space<vmem>>
    %dma_wait3A_89 = arith.constant 0 : i32
    %dma_wait3A_90 = tpu.memref_slice %arg4[%select_n3A_19, %dma_wait3A_89] : memref<2560x128xi32, #tpu.memory_space<hbm>> -> memref<1x128xi32, #tpu.memory_space<hbm>>
    %dma_wait3A_91 = arith.constant 0 : i32
    %dma_wait3A_92 = arith.constant 0 : i32
    %dma_wait3A_93 = tpu.memref_slice %arg8[%dma_wait3A, %dma_wait3A_91, %dma_wait3A_92] : memref<3x1x128xi32, #tpu.memory_space<vmem>> -> memref<1x1x128xi32, #tpu.memory_space<vmem>>
    %dma_wait3A_94 = tpu.memref_squeeze %dma_wait3A_93 : memref<1x1x128xi32, #tpu.memory_space<vmem>> -> memref<1x128xi32, #tpu.memory_space<vmem>>
    %dma_wait3A_95 = arith.constant 0 : i32
    %dma_wait3A_96 = tpu.memref_slice %arg4[%select_n3A_19, %dma_wait3A_95] : memref<2560x128xi32, #tpu.memory_space<hbm>> -> memref<1x128xi32, #tpu.memory_space<hbm>>
    tpu.wait_dma2 semaphore(%arg14 : memref<!tpu.dma_semaphore, #tpu.memory_space<semaphore_mem>>) src(%dma_wait3A_96 : memref<1x128xi32, #tpu.memory_space<hbm>>) dst(%dma_wait3A_94 : memref<1x128xi32, #tpu.memory_space<vmem>>)
    %dma_wait3A_97 = arith.constant 0 : i32
    %dma_wait3A_98 = arith.constant 0 : i32
    %dma_wait3A_99 = arith.constant 0 : i32
    %dma_wait3A_100 = tpu.memref_slice %arg9[%dma_wait3A_97, %dma_wait3A_98, %dma_wait3A_99] : memref<3x1x128xi32, #tpu.memory_space<vmem>> -> memref<1x1x128xi32, #tpu.memory_space<vmem>>
    %dma_wait3A_101 = tpu.memref_squeeze %dma_wait3A_100 : memref<1x1x128xi32, #tpu.memory_space<vmem>> -> memref<1x128xi32, #tpu.memory_space<vmem>>
    %dma_wait3A_102 = arith.constant 0 : i32
    %dma_wait3A_103 = tpu.memref_slice %arg5[%select_n3A_19, %dma_wait3A_102] : memref<2560x128xi32, #tpu.memory_space<hbm>> -> memref<1x128xi32, #tpu.memory_space<hbm>>
    %dma_wait3A_104 = arith.constant 0 : i32
    %dma_wait3A_105 = arith.constant 0 : i32
    %dma_wait3A_106 = tpu.memref_slice %arg9[%dma_wait3A_97, %dma_wait3A_104, %dma_wait3A_105] : memref<3x1x128xi32, #tpu.memory_space<vmem>> -> memref<1x1x128xi32, #tpu.memory_space<vmem>>
    %dma_wait3A_107 = tpu.memref_squeeze %dma_wait3A_106 : memref<1x1x128xi32, #tpu.memory_space<vmem>> -> memref<1x128xi32, #tpu.memory_space<vmem>>
    %dma_wait3A_108 = arith.constant 0 : i32
    %dma_wait3A_109 = tpu.memref_slice %arg5[%select_n3A_19, %dma_wait3A_108] : memref<2560x128xi32, #tpu.memory_space<hbm>> -> memref<1x128xi32, #tpu.memory_space<hbm>>
    tpu.wait_dma2 semaphore(%arg14 : memref<!tpu.dma_semaphore, #tpu.memory_space<semaphore_mem>>) src(%dma_wait3A_109 : memref<1x128xi32, #tpu.memory_space<hbm>>) dst(%dma_wait3A_107 : memref<1x128xi32, #tpu.memory_space<vmem>>)
    %dma_start3A_110 = arith.constant 0 : i32
    %dma_start3A_111 = arith.constant 0 : i32
    %dma_start3A_112 = arith.constant 0 : i32
    %dma_start3A_113 = tpu.memref_slice %arg8[%dma_start3A_110, %dma_start3A_111, %dma_start3A_112] : memref<3x1x128xi32, #tpu.memory_space<vmem>> -> memref<1x1x128xi32, #tpu.memory_space<vmem>>
    %dma_start3A_114 = tpu.memref_squeeze %dma_start3A_113 : memref<1x1x128xi32, #tpu.memory_space<vmem>> -> memref<128xi32, #tpu.memory_space<vmem>>
    %dma_start3A_115 = arith.constant 0 : i32
    %dma_start3A_116 = arith.constant 0 : i32
    %dma_start3A_117 = tpu.memref_slice %arg2[%dma_start3A_115, %dma_start3A_116] : memref<10000x128xf32, #tpu.memory_space<hbm>> -> memref<10000x128xf32, #tpu.memory_space<hbm>>
    tpu.enqueue_indirect_dma source(%dma_start3A_117 : memref<10000x128xf32, #tpu.memory_space<hbm>>) target(%arg11 : memref<128x128xf32, #tpu.memory_space<vmem>>) offsets(%dma_start3A_114 : memref<128xi32, #tpu.memory_space<vmem>>) semaphore(%arg17 : memref<!tpu.dma_semaphore, #tpu.memory_space<semaphore_mem>>)
    %jit3A_118 = arith.constant 2 : i32
    %div3A = arith.divsi %select_n3A, %jit3A_118 : i32
    %sign3A = arith.constant 0 : i32
    %sign3A_119 = arith.cmpi sgt, %select_n3A, %sign3A : i32
    %sign3A_120 = arith.extui %sign3A_119 : i1 to i32
    %sign3A_121 = arith.constant 0 : i32
    %sign3A_122 = arith.cmpi slt, %select_n3A, %sign3A_121 : i32
    %sign3A_123 = arith.extui %sign3A_122 : i1 to i32
    %sign3A_124 = arith.subi %sign3A_120, %sign3A_123 : i32
    %sign3A_125 = arith.constant 0 : i32
    %sign3A_126 = arith.cmpi sgt, %jit3A_118, %sign3A_125 : i32
    %sign3A_127 = arith.extui %sign3A_126 : i1 to i32
    %sign3A_128 = arith.constant 0 : i32
    %sign3A_129 = arith.cmpi slt, %jit3A_118, %sign3A_128 : i32
    %sign3A_130 = arith.extui %sign3A_129 : i1 to i32
    %sign3A_131 = arith.subi %sign3A_127, %sign3A_130 : i32
    %ne3A = arith.cmpi ne, %sign3A_124, %sign3A_131 : i32
    %rem3A = arith.remsi %select_n3A, %jit3A_118 : i32
    %ne3A_132 = arith.constant 0 : i32
    %ne3A_133 = arith.cmpi ne, %rem3A, %ne3A_132 : i32
    %and3A = arith.andi %ne3A, %ne3A_133 : i1
    %sub3A = arith.constant 1 : i32
    %sub3A_134 = arith.subi %div3A, %sub3A : i32
    %select_n3A_135 = arith.select %and3A, %sub3A_134, %div3A : i32
    %while3A = arith.constant 0 : i32
    %while3A_136 = arith.constant 0 : i32
    %while3A_137 = arith.subi %select_n3A_135, %while3A_136 : i32
    %while3A_138 = arith.addi %while3A_136, %while3A_137 : i32
    %while3A_139 = arith.constant 1 : i32
    %while3A_140 = arith.divsi %while3A_137, %while3A_139 : i32
    %while3A_141 = arith.muli %while3A_140, %while3A_139 : i32
    %while3A_142 = arith.addi %while3A_136, %while3A_141 : i32
    %while3A_143 = arith.constant 1 : i32
    scf.for %while3A_162 = %while3A_136 to %while3A_142 step %while3A_143  : i32 {
      %mul3A_163 = arith.constant 2 : i32
      %mul3A_164 = arith.muli %mul3A_163, %while3A_162 : i32
      %add3A_165 = arith.constant 0 : i32
      %add3A_166 = arith.addi %mul3A_164, %add3A_165 : i32
      %rem3A_167 = arith.constant 3 : i32
      %rem3A_168 = arith.remsi %add3A_166, %rem3A_167 : i32
      %add3A_169 = arith.constant 1 : i32
      %add3A_170 = arith.addi %add3A_166, %add3A_169 : i32
      %rem3A_171 = arith.constant 3 : i32
      %rem3A_172 = arith.remsi %add3A_170, %rem3A_171 : i32
      %add3A_173 = arith.constant 2 : i32
      %add3A_174 = arith.addi %add3A_166, %add3A_173 : i32
      %rem3A_175 = arith.constant 3 : i32
      %rem3A_176 = arith.remsi %add3A_174, %rem3A_175 : i32
      %dma_wait3A_177 = arith.constant 0 : i32
      %dma_wait3A_178 = arith.constant 0 : i32
      %dma_wait3A_179 = arith.constant 0 : i32
      %dma_wait3A_180 = tpu.memref_slice %arg8[%dma_wait3A_177, %dma_wait3A_178, %dma_wait3A_179] : memref<3x1x128xi32, #tpu.memory_space<vmem>> -> memref<1x1x128xi32, #tpu.memory_space<vmem>>
      %dma_wait3A_181 = tpu.memref_squeeze %dma_wait3A_180 : memref<1x1x128xi32, #tpu.memory_space<vmem>> -> memref<128xi32, #tpu.memory_space<vmem>>
      %dma_wait3A_182 = arith.constant 0 : i32
      %dma_wait3A_183 = arith.constant 0 : i32
      %dma_wait3A_184 = tpu.memref_slice %arg2[%dma_wait3A_182, %dma_wait3A_183] : memref<10000x128xf32, #tpu.memory_space<hbm>> -> memref<10000x128xf32, #tpu.memory_space<hbm>>
      tpu.wait_indirect_dma semaphore(%arg17 : memref<!tpu.dma_semaphore, #tpu.memory_space<semaphore_mem>>) src(%dma_wait3A_184 : memref<10000x128xf32, #tpu.memory_space<hbm>>) dst(%arg11 : memref<128x128xf32, #tpu.memory_space<vmem>>)
      %dma_wait3A_185 = arith.constant 0 : i32
      %dma_wait3A_186 = tpu.memref_slice %arg3[%multiple_of3A, %dma_wait3A_185] : memref<327680x128xf32, #tpu.memory_space<hbm>> -> memref<128x128xf32, #tpu.memory_space<hbm>>
      %dma_wait3A_187 = arith.constant 0 : i32
      %dma_wait3A_188 = tpu.memref_slice %arg3[%multiple_of3A, %dma_wait3A_187] : memref<327680x128xf32, #tpu.memory_space<hbm>> -> memref<128x128xf32, #tpu.memory_space<hbm>>
      tpu.wait_dma2 semaphore(%arg16 : memref<!tpu.dma_semaphore, #tpu.memory_space<semaphore_mem>>) src(%dma_wait3A_188 : memref<128x128xf32, #tpu.memory_space<hbm>>) dst(%arg10 : memref<128x128xf32, #tpu.memory_space<vmem>>)
      %scan3A = arith.constant 0 : i32
      %scan3A_189 = arith.constant 0 : i32
      %scan3A_190 = arith.constant 128 : i32
      %scan3A_191 = arith.addi %scan3A_189, %scan3A_190 : i32
      %scan3A_192 = arith.constant 1 : i32
      scf.for %scan3A_261 = %scan3A_189 to %scan3A_191 step %scan3A_192  : i32 {
        %get3A = arith.index_cast %scan3A_261 : i32 to index
        %get3A_262 = arith.constant 0 : index
        %get3A_263 = tpu.vector_load %arg11[%get3A, %get3A_262] {strides = array<i32>} : memref<128x128xf32, #tpu.memory_space<vmem>>, vector<1x16xf32>,
        %get3A_264 = vector.shape_cast %get3A_263 : vector<1x16xf32> to vector<16xf32>
        %get3A_265 = arith.index_cast %scan3A_261 : i32 to index
        %get3A_266 = arith.constant 0 : index
        %get3A_267 = tpu.vector_load %arg10[%get3A_265, %get3A_266] {strides = array<i32>} : memref<128x128xf32, #tpu.memory_space<vmem>>, vector<1x16xf32>,
        %get3A_268 = vector.shape_cast %get3A_267 : vector<1x16xf32> to vector<16xf32>
        %add3A_269 = arith.addf %get3A_264, %get3A_268 : vector<16xf32>
        %max3A = arith.constant 0.000000e+00 : f32
        %max3A_270 = vector.broadcast %max3A : f32 to vector<16xf32>
        %max3A_271 = arith.maximumf %add3A_269, %max3A_270 : vector<16xf32>
        %swap3A = arith.index_cast %scan3A_261 : i32 to index
        %swap3A_272 = arith.constant 0 : index
        %swap3A_273 = tpu.vector_load %arg11[%swap3A, %swap3A_272] {strides = array<i32>} : memref<128x128xf32, #tpu.memory_space<vmem>>, vector<1x16xf32>,
        %swap3A_274 = vector.shape_cast %swap3A_273 : vector<1x16xf32> to vector<16xf32>
        %swap3A_275 = vector.shape_cast %max3A_271 : vector<16xf32> to vector<1x16xf32>
        tpu.vector_store %arg11[%swap3A, %swap3A_272], %swap3A_275 {strides = array<i32>} : memref<128x128xf32, #tpu.memory_space<vmem>>, vector<1x16xf32>,
        %get3A_276 = arith.index_cast %scan3A_261 : i32 to index
        %get3A_277 = arith.constant 16 : index
        %get3A_278 = tpu.vector_load %arg11[%get3A_276, %get3A_277] {strides = array<i32>} : memref<128x128xf32, #tpu.memory_space<vmem>>, vector<1x16xf32>,
        %get3A_279 = vector.shape_cast %get3A_278 : vector<1x16xf32> to vector<16xf32>
        %get3A_280 = arith.index_cast %scan3A_261 : i32 to index
        %get3A_281 = arith.constant 16 : index
        %get3A_282 = tpu.vector_load %arg10[%get3A_280, %get3A_281] {strides = array<i32>} : memref<128x128xf32, #tpu.memory_space<vmem>>, vector<1x16xf32>,
        %get3A_283 = vector.shape_cast %get3A_282 : vector<1x16xf32> to vector<16xf32>
        %add3A_284 = arith.addf %get3A_279, %get3A_283 : vector<16xf32>
        %max3A_285 = arith.constant 0.000000e+00 : f32
        %max3A_286 = vector.broadcast %max3A_285 : f32 to vector<16xf32>
        %max3A_287 = arith.maximumf %add3A_284, %max3A_286 : vector<16xf32>
        %swap3A_288 = arith.index_cast %scan3A_261 : i32 to index
        %swap3A_289 = arith.constant 16 : index
        %swap3A_290 = tpu.vector_load %arg11[%swap3A_288, %swap3A_289] {strides = array<i32>} : memref<128x128xf32, #tpu.memory_space<vmem>>, vector<1x16xf32>,
        %swap3A_291 = vector.shape_cast %swap3A_290 : vector<1x16xf32> to vector<16xf32>
        %swap3A_292 = vector.shape_cast %max3A_287 : vector<16xf32> to vector<1x16xf32>
        tpu.vector_store %arg11[%swap3A_288, %swap3A_289], %swap3A_292 {strides = array<i32>} : memref<128x128xf32, #tpu.memory_space<vmem>>, vector<1x16xf32>,
        %get3A_293 = arith.index_cast %scan3A_261 : i32 to index
        %get3A_294 = arith.constant 32 : index
        %get3A_295 = tpu.vector_load %arg11[%get3A_293, %get3A_294] {strides = array<i32>} : memref<128x128xf32, #tpu.memory_space<vmem>>, vector<1x16xf32>,
        %get3A_296 = vector.shape_cast %get3A_295 : vector<1x16xf32> to vector<16xf32>
        %get3A_297 = arith.index_cast %scan3A_261 : i32 to index
        %get3A_298 = arith.constant 32 : index
        %get3A_299 = tpu.vector_load %arg10[%get3A_297, %get3A_298] {strides = array<i32>} : memref<128x128xf32, #tpu.memory_space<vmem>>, vector<1x16xf32>,
        %get3A_300 = vector.shape_cast %get3A_299 : vector<1x16xf32> to vector<16xf32>
        %add3A_301 = arith.addf %get3A_296, %get3A_300 : vector<16xf32>
        %max3A_302 = arith.constant 0.000000e+00 : f32
        %max3A_303 = vector.broadcast %max3A_302 : f32 to vector<16xf32>
        %max3A_304 = arith.maximumf %add3A_301, %max3A_303 : vector<16xf32>
        %swap3A_305 = arith.index_cast %scan3A_261 : i32 to index
        %swap3A_306 = arith.constant 32 : index
        %swap3A_307 = tpu.vector_load %arg11[%swap3A_305, %swap3A_306] {strides = array<i32>} : memref<128x128xf32, #tpu.memory_space<vmem>>, vector<1x16xf32>,
        %swap3A_308 = vector.shape_cast %swap3A_307 : vector<1x16xf32> to vector<16xf32>
        %swap3A_309 = vector.shape_cast %max3A_304 : vector<16xf32> to vector<1x16xf32>
        tpu.vector_store %arg11[%swap3A_305, %swap3A_306], %swap3A_309 {strides = array<i32>} : memref<128x128xf32, #tpu.memory_space<vmem>>, vector<1x16xf32>,
        %get3A_310 = arith.index_cast %scan3A_261 : i32 to index
        %get3A_311 = arith.constant 48 : index
        %get3A_312 = tpu.vector_load %arg11[%get3A_310, %get3A_311] {strides = array<i32>} : memref<128x128xf32, #tpu.memory_space<vmem>>, vector<1x16xf32>,
        %get3A_313 = vector.shape_cast %get3A_312 : vector<1x16xf32> to vector<16xf32>
        %get3A_314 = arith.index_cast %scan3A_261 : i32 to index
        %get3A_315 = arith.constant 48 : index
        %get3A_316 = tpu.vector_load %arg10[%get3A_314, %get3A_315] {strides = array<i32>} : memref<128x128xf32, #tpu.memory_space<vmem>>, vector<1x16xf32>,
        %get3A_317 = vector.shape_cast %get3A_316 : vector<1x16xf32> to vector<16xf32>
        %add3A_318 = arith.addf %get3A_313, %get3A_317 : vector<16xf32>
        %max3A_319 = arith.constant 0.000000e+00 : f32
        %max3A_320 = vector.broadcast %max3A_319 : f32 to vector<16xf32>
        %max3A_321 = arith.maximumf %add3A_318, %max3A_320 : vector<16xf32>
        %swap3A_322 = arith.index_cast %scan3A_261 : i32 to index
        %swap3A_323 = arith.constant 48 : index
        %swap3A_324 = tpu.vector_load %arg11[%swap3A_322, %swap3A_323] {strides = array<i32>} : memref<128x128xf32, #tpu.memory_space<vmem>>, vector<1x16xf32>,
        %swap3A_325 = vector.shape_cast %swap3A_324 : vector<1x16xf32> to vector<16xf32>
        %swap3A_326 = vector.shape_cast %max3A_321 : vector<16xf32> to vector<1x16xf32>
        tpu.vector_store %arg11[%swap3A_322, %swap3A_323], %swap3A_326 {strides = array<i32>} : memref<128x128xf32, #tpu.memory_space<vmem>>, vector<1x16xf32>,
        %get3A_327 = arith.index_cast %scan3A_261 : i32 to index
        %get3A_328 = arith.constant 64 : index
        %get3A_329 = tpu.vector_load %arg11[%get3A_327, %get3A_328] {strides = array<i32>} : memref<128x128xf32, #tpu.memory_space<vmem>>, vector<1x16xf32>,
        %get3A_330 = vector.shape_cast %get3A_329 : vector<1x16xf32> to vector<16xf32>
        %get3A_331 = arith.index_cast %scan3A_261 : i32 to index
        %get3A_332 = arith.constant 64 : index
        %get3A_333 = tpu.vector_load %arg10[%get3A_331, %get3A_332] {strides = array<i32>} : memref<128x128xf32, #tpu.memory_space<vmem>>, vector<1x16xf32>,
        %get3A_334 = vector.shape_cast %get3A_333 : vector<1x16xf32> to vector<16xf32>
        %add3A_335 = arith.addf %get3A_330, %get3A_334 : vector<16xf32>
        %max3A_336 = arith.constant 0.000000e+00 : f32
        %max3A_337 = vector.broadcast %max3A_336 : f32 to vector<16xf32>
        %max3A_338 = arith.maximumf %add3A_335, %max3A_337 : vector<16xf32>
        %swap3A_339 = arith.index_cast %scan3A_261 : i32 to index
        %swap3A_340 = arith.constant 64 : index
        %swap3A_341 = tpu.vector_load %arg11[%swap3A_339, %swap3A_340] {strides = array<i32>} : memref<128x128xf32, #tpu.memory_space<vmem>>, vector<1x16xf32>,
        %swap3A_342 = vector.shape_cast %swap3A_341 : vector<1x16xf32> to vector<16xf32>
        %swap3A_343 = vector.shape_cast %max3A_338 : vector<16xf32> to vector<1x16xf32>
        tpu.vector_store %arg11[%swap3A_339, %swap3A_340], %swap3A_343 {strides = array<i32>} : memref<128x128xf32, #tpu.memory_space<vmem>>, vector<1x16xf32>,
        %get3A_344 = arith.index_cast %scan3A_261 : i32 to index
        %get3A_345 = arith.constant 80 : index
        %get3A_346 = tpu.vector_load %arg11[%get3A_344, %get3A_345] {strides = array<i32>} : memref<128x128xf32, #tpu.memory_space<vmem>>, vector<1x16xf32>,
        %get3A_347 = vector.shape_cast %get3A_346 : vector<1x16xf32> to vector<16xf32>
        %get3A_348 = arith.index_cast %scan3A_261 : i32 to index
        %get3A_349 = arith.constant 80 : index
        %get3A_350 = tpu.vector_load %arg10[%get3A_348, %get3A_349] {strides = array<i32>} : memref<128x128xf32, #tpu.memory_space<vmem>>, vector<1x16xf32>,
        %get3A_351 = vector.shape_cast %get3A_350 : vector<1x16xf32> to vector<16xf32>
        %add3A_352 = arith.addf %get3A_347, %get3A_351 : vector<16xf32>
        %max3A_353 = arith.constant 0.000000e+00 : f32
        %max3A_354 = vector.broadcast %max3A_353 : f32 to vector<16xf32>
        %max3A_355 = arith.maximumf %add3A_352, %max3A_354 : vector<16xf32>
        %swap3A_356 = arith.index_cast %scan3A_261 : i32 to index
        %swap3A_357 = arith.constant 80 : index
        %swap3A_358 = tpu.vector_load %arg11[%swap3A_356, %swap3A_357] {strides = array<i32>} : memref<128x128xf32, #tpu.memory_space<vmem>>, vector<1x16xf32>,
        %swap3A_359 = vector.shape_cast %swap3A_358 : vector<1x16xf32> to vector<16xf32>
        %swap3A_360 = vector.shape_cast %max3A_355 : vector<16xf32> to vector<1x16xf32>
        tpu.vector_store %arg11[%swap3A_356, %swap3A_357], %swap3A_360 {strides = array<i32>} : memref<128x128xf32, #tpu.memory_space<vmem>>, vector<1x16xf32>,
        %get3A_361 = arith.index_cast %scan3A_261 : i32 to index
        %get3A_362 = arith.constant 96 : index
        %get3A_363 = tpu.vector_load %arg11[%get3A_361, %get3A_362] {strides = array<i32>} : memref<128x128xf32, #tpu.memory_space<vmem>>, vector<1x16xf32>,
        %get3A_364 = vector.shape_cast %get3A_363 : vector<1x16xf32> to vector<16xf32>
        %get3A_365 = arith.index_cast %scan3A_261 : i32 to index
        %get3A_366 = arith.constant 96 : index
        %get3A_367 = tpu.vector_load %arg10[%get3A_365, %get3A_366] {strides = array<i32>} : memref<128x128xf32, #tpu.memory_space<vmem>>, vector<1x16xf32>,
        %get3A_368 = vector.shape_cast %get3A_367 : vector<1x16xf32> to vector<16xf32>
        %add3A_369 = arith.addf %get3A_364, %get3A_368 : vector<16xf32>
        %max3A_370 = arith.constant 0.000000e+00 : f32
        %max3A_371 = vector.broadcast %max3A_370 : f32 to vector<16xf32>
        %max3A_372 = arith.maximumf %add3A_369, %max3A_371 : vector<16xf32>
        %swap3A_373 = arith.index_cast %scan3A_261 : i32 to index
        %swap3A_374 = arith.constant 96 : index
        %swap3A_375 = tpu.vector_load %arg11[%swap3A_373, %swap3A_374] {strides = array<i32>} : memref<128x128xf32, #tpu.memory_space<vmem>>, vector<1x16xf32>,
        %swap3A_376 = vector.shape_cast %swap3A_375 : vector<1x16xf32> to vector<16xf32>
        %swap3A_377 = vector.shape_cast %max3A_372 : vector<16xf32> to vector<1x16xf32>
        tpu.vector_store %arg11[%swap3A_373, %swap3A_374], %swap3A_377 {strides = array<i32>} : memref<128x128xf32, #tpu.memory_space<vmem>>, vector<1x16xf32>,
        %get3A_378 = arith.index_cast %scan3A_261 : i32 to index
        %get3A_379 = arith.constant 112 : index
        %get3A_380 = tpu.vector_load %arg11[%get3A_378, %get3A_379] {strides = array<i32>} : memref<128x128xf32, #tpu.memory_space<vmem>>, vector<1x16xf32>,
        %get3A_381 = vector.shape_cast %get3A_380 : vector<1x16xf32> to vector<16xf32>
        %get3A_382 = arith.index_cast %scan3A_261 : i32 to index
        %get3A_383 = arith.constant 112 : index
        %get3A_384 = tpu.vector_load %arg10[%get3A_382, %get3A_383] {strides = array<i32>} : memref<128x128xf32, #tpu.memory_space<vmem>>, vector<1x16xf32>,
        %get3A_385 = vector.shape_cast %get3A_384 : vector<1x16xf32> to vector<16xf32>
        %add3A_386 = arith.addf %get3A_381, %get3A_385 : vector<16xf32>
        %max3A_387 = arith.constant 0.000000e+00 : f32
        %max3A_388 = vector.broadcast %max3A_387 : f32 to vector<16xf32>
        %max3A_389 = arith.maximumf %add3A_386, %max3A_388 : vector<16xf32>
        %swap3A_390 = arith.index_cast %scan3A_261 : i32 to index
        %swap3A_391 = arith.constant 112 : index
        %swap3A_392 = tpu.vector_load %arg11[%swap3A_390, %swap3A_391] {strides = array<i32>} : memref<128x128xf32, #tpu.memory_space<vmem>>, vector<1x16xf32>,
        %swap3A_393 = vector.shape_cast %swap3A_392 : vector<1x16xf32> to vector<16xf32>
        %swap3A_394 = vector.shape_cast %max3A_389 : vector<16xf32> to vector<1x16xf32>
        tpu.vector_store %arg11[%swap3A_390, %swap3A_391], %swap3A_394 {strides = array<i32>} : memref<128x128xf32, #tpu.memory_space<vmem>>, vector<1x16xf32>,
      }
      %scan3A_193 = arith.constant 128 : i32
      %dma_start3A_194 = arith.constant 0 : i32
      %dma_start3A_195 = arith.constant 0 : i32
      %dma_start3A_196 = tpu.memref_slice %arg9[%rem3A_168, %dma_start3A_194, %dma_start3A_195] : memref<3x1x128xi32, #tpu.memory_space<vmem>> -> memref<1x1x128xi32, #tpu.memory_space<vmem>>
      %dma_start3A_197 = tpu.memref_squeeze %dma_start3A_196 : memref<1x1x128xi32, #tpu.memory_space<vmem>> -> memref<128xi32, #tpu.memory_space<vmem>>
      %dma_start3A_198 = arith.constant 0 : i32
      %dma_start3A_199 = arith.constant 0 : i32
      %dma_start3A_200 = tpu.memref_slice %arg13[%dma_start3A_198, %dma_start3A_199] : memref<10112x128xf32, #tpu.memory_space<vmem_shared>> -> memref<10112x128xf32, #tpu.memory_space<vmem_shared>>
      tpu.enqueue_indirect_dma source(%arg11 : memref<128x128xf32, #tpu.memory_space<vmem>>) target(%dma_start3A_200 : memref<10112x128xf32, #tpu.memory_space<vmem_shared>>) offsets(%dma_start3A_197 : memref<128xi32, #tpu.memory_space<vmem>>) semaphore(%arg19 : memref<!tpu.dma_semaphore, #tpu.memory_space<semaphore_mem>>) {add = true}
      %add3A_201 = arith.constant 1 : i32
      %add3A_202 = arith.addi %add3A_166, %add3A_201 : i32
      %lt3A = arith.cmpi slt, %add3A_202, %select_n3A : i32
      %convert_element_type3A = arith.extui %lt3A : i1 to i32
      %cond3A = arith.constant 0 : i32
      %cond3A_203 = arith.cmpi ne, %convert_element_type3A, %cond3A : i32
      scf.if %cond3A_203 {
        %add3A_261 = arith.constant 1 : i32
        %add3A_262 = arith.addi %add3A_166, %add3A_261 : i32
        %mul3A_263 = arith.constant 128 : i32
        %mul3A_264 = arith.muli %add3A_262, %mul3A_263 : i32
        %add3A_265 = arith.addi %multiple_of3A, %mul3A_264 : i32
        %dma_start3A_266 = arith.constant 0 : i32
        %dma_start3A_267 = tpu.memref_slice %arg3[%add3A_265, %dma_start3A_266] : memref<327680x128xf32, #tpu.memory_space<hbm>> -> memref<128x128xf32, #tpu.memory_space<hbm>>
        %dma_start3A_268 = arith.constant 0 : i32
        %dma_start3A_269 = tpu.memref_slice %arg3[%add3A_265, %dma_start3A_268] : memref<327680x128xf32, #tpu.memory_space<hbm>> -> memref<128x128xf32, #tpu.memory_space<hbm>>
        tpu.enqueue_dma source(%dma_start3A_269 : memref<128x128xf32, #tpu.memory_space<hbm>>) target(%arg10 : memref<128x128xf32, #tpu.memory_space<vmem>>) target_semaphore(%arg16 : memref<!tpu.dma_semaphore, #tpu.memory_space<semaphore_mem>>)
        %dma_wait3A_270 = arith.constant 0 : i32
        %dma_wait3A_271 = arith.constant 0 : i32
        %dma_wait3A_272 = arith.constant 0 : i32
        %dma_wait3A_273 = tpu.memref_slice %arg8[%dma_wait3A_270, %dma_wait3A_271, %dma_wait3A_272] : memref<3x1x128xi32, #tpu.memory_space<vmem>> -> memref<1x1x128xi32, #tpu.memory_space<vmem>>
        %dma_wait3A_274 = tpu.memref_squeeze %dma_wait3A_273 : memref<1x1x128xi32, #tpu.memory_space<vmem>> -> memref<1x128xi32, #tpu.memory_space<vmem>>
        %dma_wait3A_275 = arith.constant 0 : i32
        %dma_wait3A_276 = tpu.memref_slice %arg4[%select_n3A_19, %dma_wait3A_275] : memref<2560x128xi32, #tpu.memory_space<hbm>> -> memref<1x128xi32, #tpu.memory_space<hbm>>
        %dma_wait3A_277 = arith.constant 0 : i32
        %dma_wait3A_278 = arith.constant 0 : i32
        %dma_wait3A_279 = tpu.memref_slice %arg8[%dma_wait3A_270, %dma_wait3A_277, %dma_wait3A_278] : memref<3x1x128xi32, #tpu.memory_space<vmem>> -> memref<1x1x128xi32, #tpu.memory_space<vmem>>
        %dma_wait3A_280 = tpu.memref_squeeze %dma_wait3A_279 : memref<1x1x128xi32, #tpu.memory_space<vmem>> -> memref<1x128xi32, #tpu.memory_space<vmem>>
        %dma_wait3A_281 = arith.constant 0 : i32
        %dma_wait3A_282 = tpu.memref_slice %arg4[%select_n3A_19, %dma_wait3A_281] : memref<2560x128xi32, #tpu.memory_space<hbm>> -> memref<1x128xi32, #tpu.memory_space<hbm>>
        tpu.wait_dma2 semaphore(%arg15 : memref<!tpu.dma_semaphore, #tpu.memory_space<semaphore_mem>>) src(%dma_wait3A_282 : memref<1x128xi32, #tpu.memory_space<hbm>>) dst(%dma_wait3A_280 : memref<1x128xi32, #tpu.memory_space<vmem>>)
        %dma_wait3A_283 = arith.constant 0 : i32
        %dma_wait3A_284 = arith.constant 0 : i32
        %dma_wait3A_285 = arith.constant 0 : i32
        %dma_wait3A_286 = tpu.memref_slice %arg9[%dma_wait3A_283, %dma_wait3A_284, %dma_wait3A_285] : memref<3x1x128xi32, #tpu.memory_space<vmem>> -> memref<1x1x128xi32, #tpu.memory_space<vmem>>
        %dma_wait3A_287 = tpu.memref_squeeze %dma_wait3A_286 : memref<1x1x128xi32, #tpu.memory_space<vmem>> -> memref<1x128xi32, #tpu.memory_space<vmem>>
        %dma_wait3A_288 = arith.constant 0 : i32
        %dma_wait3A_289 = tpu.memref_slice %arg5[%select_n3A_19, %dma_wait3A_288] : memref<2560x128xi32, #tpu.memory_space<hbm>> -> memref<1x128xi32, #tpu.memory_space<hbm>>
        %dma_wait3A_290 = arith.constant 0 : i32
        %dma_wait3A_291 = arith.constant 0 : i32
        %dma_wait3A_292 = tpu.memref_slice %arg9[%dma_wait3A_283, %dma_wait3A_290, %dma_wait3A_291] : memref<3x1x128xi32, #tpu.memory_space<vmem>> -> memref<1x1x128xi32, #tpu.memory_space<vmem>>
        %dma_wait3A_293 = tpu.memref_squeeze %dma_wait3A_292 : memref<1x1x128xi32, #tpu.memory_space<vmem>> -> memref<1x128xi32, #tpu.memory_space<vmem>>
        %dma_wait3A_294 = arith.constant 0 : i32
        %dma_wait3A_295 = tpu.memref_slice %arg5[%select_n3A_19, %dma_wait3A_294] : memref<2560x128xi32, #tpu.memory_space<hbm>> -> memref<1x128xi32, #tpu.memory_space<hbm>>
        tpu.wait_dma2 semaphore(%arg15 : memref<!tpu.dma_semaphore, #tpu.memory_space<semaphore_mem>>) src(%dma_wait3A_295 : memref<1x128xi32, #tpu.memory_space<hbm>>) dst(%dma_wait3A_293 : memref<1x128xi32, #tpu.memory_space<vmem>>)
        %ge3A = arith.constant 1 : i32
        %ge3A_296 = arith.cmpi sge, %add3A_166, %ge3A : i32
        %convert_element_type3A_297 = arith.extui %ge3A_296 : i1 to i32
        %cond3A_298 = arith.constant 0 : i32
        %cond3A_299 = arith.cmpi ne, %convert_element_type3A_297, %cond3A_298 : i32
        scf.if %cond3A_299 {
          %dma_wait3A_309 = arith.constant 0 : i32
          %dma_wait3A_310 = arith.constant 0 : i32
          %dma_wait3A_311 = arith.constant 0 : i32
          %dma_wait3A_312 = tpu.memref_slice %arg9[%dma_wait3A_309, %dma_wait3A_310, %dma_wait3A_311] : memref<3x1x128xi32, #tpu.memory_space<vmem>> -> memref<1x1x128xi32, #tpu.memory_space<vmem>>
          %dma_wait3A_313 = tpu.memref_squeeze %dma_wait3A_312 : memref<1x1x128xi32, #tpu.memory_space<vmem>> -> memref<128xi32, #tpu.memory_space<vmem>>
          %dma_wait3A_314 = arith.constant 0 : i32
          %dma_wait3A_315 = arith.constant 0 : i32
          %dma_wait3A_316 = tpu.memref_slice %arg13[%dma_wait3A_314, %dma_wait3A_315] : memref<10112x128xf32, #tpu.memory_space<vmem_shared>> -> memref<10112x128xf32, #tpu.memory_space<vmem_shared>>
          tpu.wait_indirect_dma semaphore(%arg20 : memref<!tpu.dma_semaphore, #tpu.memory_space<semaphore_mem>>) src(%arg12 : memref<128x128xf32, #tpu.memory_space<vmem>>) dst(%dma_wait3A_316 : memref<10112x128xf32, #tpu.memory_space<vmem_shared>>)
        } else {
        }
        %add3A_300 = arith.constant 1 : i32
        %add3A_301 = arith.addi %add3A_166, %add3A_300 : i32
        %dma_start3A_302 = arith.constant 0 : i32
        %dma_start3A_303 = arith.constant 0 : i32
        %dma_start3A_304 = tpu.memref_slice %arg8[%rem3A_172, %dma_start3A_302, %dma_start3A_303] : memref<3x1x128xi32, #tpu.memory_space<vmem>> -> memref<1x1x128xi32, #tpu.memory_space<vmem>>
        %dma_start3A_305 = tpu.memref_squeeze %dma_start3A_304 : memref<1x1x128xi32, #tpu.memory_space<vmem>> -> memref<128xi32, #tpu.memory_space<vmem>>
        %dma_start3A_306 = arith.constant 0 : i32
        %dma_start3A_307 = arith.constant 0 : i32
        %dma_start3A_308 = tpu.memref_slice %arg2[%dma_start3A_306, %dma_start3A_307] : memref<10000x128xf32, #tpu.memory_space<hbm>> -> memref<10000x128xf32, #tpu.memory_space<hbm>>
        tpu.enqueue_indirect_dma source(%dma_start3A_308 : memref<10000x128xf32, #tpu.memory_space<hbm>>) target(%arg12 : memref<128x128xf32, #tpu.memory_space<vmem>>) offsets(%dma_start3A_305 : memref<128xi32, #tpu.memory_space<vmem>>) semaphore(%arg18 : memref<!tpu.dma_semaphore, #tpu.memory_space<semaphore_mem>>)
      } else {
      }
      %add3A_204 = arith.constant 2 : i32
      %add3A_205 = arith.addi %add3A_166, %add3A_204 : i32
      %lt3A_206 = arith.cmpi slt, %add3A_205, %select_n3A : i32
      %convert_element_type3A_207 = arith.extui %lt3A_206 : i1 to i32
      %cond3A_208 = arith.constant 0 : i32
      %cond3A_209 = arith.cmpi ne, %convert_element_type3A_207, %cond3A_208 : i32
      scf.if %cond3A_209 {
        %add3A_261 = arith.constant 2 : i32
        %add3A_262 = arith.addi %add3A_166, %add3A_261 : i32
        %add3A_263 = arith.addi %select_n3A_19, %add3A_262 : i32
        %dma_start3A_264 = arith.constant 0 : i32
        %dma_start3A_265 = arith.constant 0 : i32
        %dma_start3A_266 = tpu.memref_slice %arg8[%rem3A_176, %dma_start3A_264, %dma_start3A_265] : memref<3x1x128xi32, #tpu.memory_space<vmem>> -> memref<1x1x128xi32, #tpu.memory_space<vmem>>
        %dma_start3A_267 = tpu.memref_squeeze %dma_start3A_266 : memref<1x1x128xi32, #tpu.memory_space<vmem>> -> memref<1x128xi32, #tpu.memory_space<vmem>>
        %dma_start3A_268 = arith.constant 0 : i32
        %dma_start3A_269 = tpu.memref_slice %arg4[%add3A_263, %dma_start3A_268] : memref<2560x128xi32, #tpu.memory_space<hbm>> -> memref<1x128xi32, #tpu.memory_space<hbm>>
        %dma_start3A_270 = arith.constant 0 : i32
        %dma_start3A_271 = arith.constant 0 : i32
        %dma_start3A_272 = tpu.memref_slice %arg8[%rem3A_176, %dma_start3A_270, %dma_start3A_271] : memref<3x1x128xi32, #tpu.memory_space<vmem>> -> memref<1x1x128xi32, #tpu.memory_space<vmem>>
        %dma_start3A_273 = tpu.memref_squeeze %dma_start3A_272 : memref<1x1x128xi32, #tpu.memory_space<vmem>> -> memref<1x128xi32, #tpu.memory_space<vmem>>
        %dma_start3A_274 = arith.constant 0 : i32
        %dma_start3A_275 = tpu.memref_slice %arg4[%add3A_263, %dma_start3A_274] : memref<2560x128xi32, #tpu.memory_space<hbm>> -> memref<1x128xi32, #tpu.memory_space<hbm>>
        tpu.enqueue_dma source(%dma_start3A_275 : memref<1x128xi32, #tpu.memory_space<hbm>>) target(%dma_start3A_273 : memref<1x128xi32, #tpu.memory_space<vmem>>) target_semaphore(%arg14 : memref<!tpu.dma_semaphore, #tpu.memory_space<semaphore_mem>>)
        %add3A_276 = arith.addi %select_n3A_19, %add3A_262 : i32
        %dma_start3A_277 = arith.constant 0 : i32
        %dma_start3A_278 = arith.constant 0 : i32
        %dma_start3A_279 = tpu.memref_slice %arg9[%rem3A_176, %dma_start3A_277, %dma_start3A_278] : memref<3x1x128xi32, #tpu.memory_space<vmem>> -> memref<1x1x128xi32, #tpu.memory_space<vmem>>
        %dma_start3A_280 = tpu.memref_squeeze %dma_start3A_279 : memref<1x1x128xi32, #tpu.memory_space<vmem>> -> memref<1x128xi32, #tpu.memory_space<vmem>>
        %dma_start3A_281 = arith.constant 0 : i32
        %dma_start3A_282 = tpu.memref_slice %arg5[%add3A_276, %dma_start3A_281] : memref<2560x128xi32, #tpu.memory_space<hbm>> -> memref<1x128xi32, #tpu.memory_space<hbm>>
        %dma_start3A_283 = arith.constant 0 : i32
        %dma_start3A_284 = arith.constant 0 : i32
        %dma_start3A_285 = tpu.memref_slice %arg9[%rem3A_176, %dma_start3A_283, %dma_start3A_284] : memref<3x1x128xi32, #tpu.memory_space<vmem>> -> memref<1x1x128xi32, #tpu.memory_space<vmem>>
        %dma_start3A_286 = tpu.memref_squeeze %dma_start3A_285 : memref<1x1x128xi32, #tpu.memory_space<vmem>> -> memref<1x128xi32, #tpu.memory_space<vmem>>
        %dma_start3A_287 = arith.constant 0 : i32
        %dma_start3A_288 = tpu.memref_slice %arg5[%add3A_276, %dma_start3A_287] : memref<2560x128xi32, #tpu.memory_space<hbm>> -> memref<1x128xi32, #tpu.memory_space<hbm>>
        tpu.enqueue_dma source(%dma_start3A_288 : memref<1x128xi32, #tpu.memory_space<hbm>>) target(%dma_start3A_286 : memref<1x128xi32, #tpu.memory_space<vmem>>) target_semaphore(%arg14 : memref<!tpu.dma_semaphore, #tpu.memory_space<semaphore_mem>>)
      } else {
      }
      %mul3A_210 = arith.constant 2 : i32
      %mul3A_211 = arith.muli %mul3A_210, %while3A_162 : i32
      %add3A_212 = arith.constant 1 : i32
      %add3A_213 = arith.addi %mul3A_211, %add3A_212 : i32
      %rem3A_214 = arith.constant 3 : i32
      %rem3A_215 = arith.remsi %add3A_213, %rem3A_214 : i32
      %add3A_216 = arith.constant 1 : i32
      %add3A_217 = arith.addi %add3A_213, %add3A_216 : i32
      %rem3A_218 = arith.constant 3 : i32
      %rem3A_219 = arith.remsi %add3A_217, %rem3A_218 : i32
      %add3A_220 = arith.constant 2 : i32
      %add3A_221 = arith.addi %add3A_213, %add3A_220 : i32
      %rem3A_222 = arith.constant 3 : i32
      %rem3A_223 = arith.remsi %add3A_221, %rem3A_222 : i32
      %dma_wait3A_224 = arith.constant 0 : i32
      %dma_wait3A_225 = arith.constant 0 : i32
      %dma_wait3A_226 = arith.constant 0 : i32
      %dma_wait3A_227 = tpu.memref_slice %arg8[%dma_wait3A_224, %dma_wait3A_225, %dma_wait3A_226] : memref<3x1x128xi32, #tpu.memory_space<vmem>> -> memref<1x1x128xi32, #tpu.memory_space<vmem>>
      %dma_wait3A_228 = tpu.memref_squeeze %dma_wait3A_227 : memref<1x1x128xi32, #tpu.memory_space<vmem>> -> memref<128xi32, #tpu.memory_space<vmem>>
      %dma_wait3A_229 = arith.constant 0 : i32
      %dma_wait3A_230 = arith.constant 0 : i32
      %dma_wait3A_231 = tpu.memref_slice %arg2[%dma_wait3A_229, %dma_wait3A_230] : memref<10000x128xf32, #tpu.memory_space<hbm>> -> memref<10000x128xf32, #tpu.memory_space<hbm>>
      tpu.wait_indirect_dma semaphore(%arg18 : memref<!tpu.dma_semaphore, #tpu.memory_space<semaphore_mem>>) src(%dma_wait3A_231 : memref<10000x128xf32, #tpu.memory_space<hbm>>) dst(%arg12 : memref<128x128xf32, #tpu.memory_space<vmem>>)
      %dma_wait3A_232 = arith.constant 0 : i32
      %dma_wait3A_233 = tpu.memref_slice %arg3[%multiple_of3A, %dma_wait3A_232] : memref<327680x128xf32, #tpu.memory_space<hbm>> -> memref<128x128xf32, #tpu.memory_space<hbm>>
      %dma_wait3A_234 = arith.constant 0 : i32
      %dma_wait3A_235 = tpu.memref_slice %arg3[%multiple_of3A, %dma_wait3A_234] : memref<327680x128xf32, #tpu.memory_space<hbm>> -> memref<128x128xf32, #tpu.memory_space<hbm>>
      tpu.wait_dma2 semaphore(%arg16 : memref<!tpu.dma_semaphore, #tpu.memory_space<semaphore_mem>>) src(%dma_wait3A_235 : memref<128x128xf32, #tpu.memory_space<hbm>>) dst(%arg10 : memref<128x128xf32, #tpu.memory_space<vmem>>)
      %scan3A_236 = arith.constant 0 : i32
      %scan3A_237 = arith.constant 0 : i32
      %scan3A_238 = arith.constant 128 : i32
      %scan3A_239 = arith.addi %scan3A_237, %scan3A_238 : i32
      %scan3A_240 = arith.constant 1 : i32
      scf.for %scan3A_261 = %scan3A_237 to %scan3A_239 step %scan3A_240  : i32 {
        %get3A = arith.index_cast %scan3A_261 : i32 to index
        %get3A_262 = arith.constant 0 : index
        %get3A_263 = tpu.vector_load %arg12[%get3A, %get3A_262] {strides = array<i32>} : memref<128x128xf32, #tpu.memory_space<vmem>>, vector<1x16xf32>,
        %get3A_264 = vector.shape_cast %get3A_263 : vector<1x16xf32> to vector<16xf32>
        %get3A_265 = arith.index_cast %scan3A_261 : i32 to index
        %get3A_266 = arith.constant 0 : index
        %get3A_267 = tpu.vector_load %arg10[%get3A_265, %get3A_266] {strides = array<i32>} : memref<128x128xf32, #tpu.memory_space<vmem>>, vector<1x16xf32>,
        %get3A_268 = vector.shape_cast %get3A_267 : vector<1x16xf32> to vector<16xf32>
        %add3A_269 = arith.addf %get3A_264, %get3A_268 : vector<16xf32>
        %max3A = arith.constant 0.000000e+00 : f32
        %max3A_270 = vector.broadcast %max3A : f32 to vector<16xf32>
        %max3A_271 = arith.maximumf %add3A_269, %max3A_270 : vector<16xf32>
        %swap3A = arith.index_cast %scan3A_261 : i32 to index
        %swap3A_272 = arith.constant 0 : index
        %swap3A_273 = tpu.vector_load %arg12[%swap3A, %swap3A_272] {strides = array<i32>} : memref<128x128xf32, #tpu.memory_space<vmem>>, vector<1x16xf32>,
        %swap3A_274 = vector.shape_cast %swap3A_273 : vector<1x16xf32> to vector<16xf32>
        %swap3A_275 = vector.shape_cast %max3A_271 : vector<16xf32> to vector<1x16xf32>
        tpu.vector_store %arg12[%swap3A, %swap3A_272], %swap3A_275 {strides = array<i32>} : memref<128x128xf32, #tpu.memory_space<vmem>>, vector<1x16xf32>,
        %get3A_276 = arith.index_cast %scan3A_261 : i32 to index
        %get3A_277 = arith.constant 16 : index
        %get3A_278 = tpu.vector_load %arg12[%get3A_276, %get3A_277] {strides = array<i32>} : memref<128x128xf32, #tpu.memory_space<vmem>>, vector<1x16xf32>,
        %get3A_279 = vector.shape_cast %get3A_278 : vector<1x16xf32> to vector<16xf32>
        %get3A_280 = arith.index_cast %scan3A_261 : i32 to index
        %get3A_281 = arith.constant 16 : index
        %get3A_282 = tpu.vector_load %arg10[%get3A_280, %get3A_281] {strides = array<i32>} : memref<128x128xf32, #tpu.memory_space<vmem>>, vector<1x16xf32>,
        %get3A_283 = vector.shape_cast %get3A_282 : vector<1x16xf32> to vector<16xf32>
        %add3A_284 = arith.addf %get3A_279, %get3A_283 : vector<16xf32>
        %max3A_285 = arith.constant 0.000000e+00 : f32
        %max3A_286 = vector.broadcast %max3A_285 : f32 to vector<16xf32>
        %max3A_287 = arith.maximumf %add3A_284, %max3A_286 : vector<16xf32>
        %swap3A_288 = arith.index_cast %scan3A_261 : i32 to index
        %swap3A_289 = arith.constant 16 : index
        %swap3A_290 = tpu.vector_load %arg12[%swap3A_288, %swap3A_289] {strides = array<i32>} : memref<128x128xf32, #tpu.memory_space<vmem>>, vector<1x16xf32>,
        %swap3A_291 = vector.shape_cast %swap3A_290 : vector<1x16xf32> to vector<16xf32>
        %swap3A_292 = vector.shape_cast %max3A_287 : vector<16xf32> to vector<1x16xf32>
        tpu.vector_store %arg12[%swap3A_288, %swap3A_289], %swap3A_292 {strides = array<i32>} : memref<128x128xf32, #tpu.memory_space<vmem>>, vector<1x16xf32>,
        %get3A_293 = arith.index_cast %scan3A_261 : i32 to index
        %get3A_294 = arith.constant 32 : index
        %get3A_295 = tpu.vector_load %arg12[%get3A_293, %get3A_294] {strides = array<i32>} : memref<128x128xf32, #tpu.memory_space<vmem>>, vector<1x16xf32>,
        %get3A_296 = vector.shape_cast %get3A_295 : vector<1x16xf32> to vector<16xf32>
        %get3A_297 = arith.index_cast %scan3A_261 : i32 to index
        %get3A_298 = arith.constant 32 : index
        %get3A_299 = tpu.vector_load %arg10[%get3A_297, %get3A_298] {strides = array<i32>} : memref<128x128xf32, #tpu.memory_space<vmem>>, vector<1x16xf32>,
        %get3A_300 = vector.shape_cast %get3A_299 : vector<1x16xf32> to vector<16xf32>
        %add3A_301 = arith.addf %get3A_296, %get3A_300 : vector<16xf32>
        %max3A_302 = arith.constant 0.000000e+00 : f32
        %max3A_303 = vector.broadcast %max3A_302 : f32 to vector<16xf32>
        %max3A_304 = arith.maximumf %add3A_301, %max3A_303 : vector<16xf32>
        %swap3A_305 = arith.index_cast %scan3A_261 : i32 to index
        %swap3A_306 = arith.constant 32 : index
        %swap3A_307 = tpu.vector_load %arg12[%swap3A_305, %swap3A_306] {strides = array<i32>} : memref<128x128xf32, #tpu.memory_space<vmem>>, vector<1x16xf32>,
        %swap3A_308 = vector.shape_cast %swap3A_307 : vector<1x16xf32> to vector<16xf32>
        %swap3A_309 = vector.shape_cast %max3A_304 : vector<16xf32> to vector<1x16xf32>
        tpu.vector_store %arg12[%swap3A_305, %swap3A_306], %swap3A_309 {strides = array<i32>} : memref<128x128xf32, #tpu.memory_space<vmem>>, vector<1x16xf32>,
        %get3A_310 = arith.index_cast %scan3A_261 : i32 to index
        %get3A_311 = arith.constant 48 : index
        %get3A_312 = tpu.vector_load %arg12[%get3A_310, %get3A_311] {strides = array<i32>} : memref<128x128xf32, #tpu.memory_space<vmem>>, vector<1x16xf32>,
        %get3A_313 = vector.shape_cast %get3A_312 : vector<1x16xf32> to vector<16xf32>
        %get3A_314 = arith.index_cast %scan3A_261 : i32 to index
        %get3A_315 = arith.constant 48 : index
        %get3A_316 = tpu.vector_load %arg10[%get3A_314, %get3A_315] {strides = array<i32>} : memref<128x128xf32, #tpu.memory_space<vmem>>, vector<1x16xf32>,
        %get3A_317 = vector.shape_cast %get3A_316 : vector<1x16xf32> to vector<16xf32>
        %add3A_318 = arith.addf %get3A_313, %get3A_317 : vector<16xf32>
        %max3A_319 = arith.constant 0.000000e+00 : f32
        %max3A_320 = vector.broadcast %max3A_319 : f32 to vector<16xf32>
        %max3A_321 = arith.maximumf %add3A_318, %max3A_320 : vector<16xf32>
        %swap3A_322 = arith.index_cast %scan3A_261 : i32 to index
        %swap3A_323 = arith.constant 48 : index
        %swap3A_324 = tpu.vector_load %arg12[%swap3A_322, %swap3A_323] {strides = array<i32>} : memref<128x128xf32, #tpu.memory_space<vmem>>, vector<1x16xf32>,
        %swap3A_325 = vector.shape_cast %swap3A_324 : vector<1x16xf32> to vector<16xf32>
        %swap3A_326 = vector.shape_cast %max3A_321 : vector<16xf32> to vector<1x16xf32>
        tpu.vector_store %arg12[%swap3A_322, %swap3A_323], %swap3A_326 {strides = array<i32>} : memref<128x128xf32, #tpu.memory_space<vmem>>, vector<1x16xf32>,
        %get3A_327 = arith.index_cast %scan3A_261 : i32 to index
        %get3A_328 = arith.constant 64 : index
        %get3A_329 = tpu.vector_load %arg12[%get3A_327, %get3A_328] {strides = array<i32>} : memref<128x128xf32, #tpu.memory_space<vmem>>, vector<1x16xf32>,
        %get3A_330 = vector.shape_cast %get3A_329 : vector<1x16xf32> to vector<16xf32>
        %get3A_331 = arith.index_cast %scan3A_261 : i32 to index
        %get3A_332 = arith.constant 64 : index
        %get3A_333 = tpu.vector_load %arg10[%get3A_331, %get3A_332] {strides = array<i32>} : memref<128x128xf32, #tpu.memory_space<vmem>>, vector<1x16xf32>,
        %get3A_334 = vector.shape_cast %get3A_333 : vector<1x16xf32> to vector<16xf32>
        %add3A_335 = arith.addf %get3A_330, %get3A_334 : vector<16xf32>
        %max3A_336 = arith.constant 0.000000e+00 : f32
        %max3A_337 = vector.broadcast %max3A_336 : f32 to vector<16xf32>
        %max3A_338 = arith.maximumf %add3A_335, %max3A_337 : vector<16xf32>
        %swap3A_339 = arith.index_cast %scan3A_261 : i32 to index
        %swap3A_340 = arith.constant 64 : index
        %swap3A_341 = tpu.vector_load %arg12[%swap3A_339, %swap3A_340] {strides = array<i32>} : memref<128x128xf32, #tpu.memory_space<vmem>>, vector<1x16xf32>,
        %swap3A_342 = vector.shape_cast %swap3A_341 : vector<1x16xf32> to vector<16xf32>
        %swap3A_343 = vector.shape_cast %max3A_338 : vector<16xf32> to vector<1x16xf32>
        tpu.vector_store %arg12[%swap3A_339, %swap3A_340], %swap3A_343 {strides = array<i32>} : memref<128x128xf32, #tpu.memory_space<vmem>>, vector<1x16xf32>,
        %get3A_344 = arith.index_cast %scan3A_261 : i32 to index
        %get3A_345 = arith.constant 80 : index
        %get3A_346 = tpu.vector_load %arg12[%get3A_344, %get3A_345] {strides = array<i32>} : memref<128x128xf32, #tpu.memory_space<vmem>>, vector<1x16xf32>,
        %get3A_347 = vector.shape_cast %get3A_346 : vector<1x16xf32> to vector<16xf32>
        %get3A_348 = arith.index_cast %scan3A_261 : i32 to index
        %get3A_349 = arith.constant 80 : index
        %get3A_350 = tpu.vector_load %arg10[%get3A_348, %get3A_349] {strides = array<i32>} : memref<128x128xf32, #tpu.memory_space<vmem>>, vector<1x16xf32>,
        %get3A_351 = vector.shape_cast %get3A_350 : vector<1x16xf32> to vector<16xf32>
        %add3A_352 = arith.addf %get3A_347, %get3A_351 : vector<16xf32>
        %max3A_353 = arith.constant 0.000000e+00 : f32
        %max3A_354 = vector.broadcast %max3A_353 : f32 to vector<16xf32>
        %max3A_355 = arith.maximumf %add3A_352, %max3A_354 : vector<16xf32>
        %swap3A_356 = arith.index_cast %scan3A_261 : i32 to index
        %swap3A_357 = arith.constant 80 : index
        %swap3A_358 = tpu.vector_load %arg12[%swap3A_356, %swap3A_357] {strides = array<i32>} : memref<128x128xf32, #tpu.memory_space<vmem>>, vector<1x16xf32>,
        %swap3A_359 = vector.shape_cast %swap3A_358 : vector<1x16xf32> to vector<16xf32>
        %swap3A_360 = vector.shape_cast %max3A_355 : vector<16xf32> to vector<1x16xf32>
        tpu.vector_store %arg12[%swap3A_356, %swap3A_357], %swap3A_360 {strides = array<i32>} : memref<128x128xf32, #tpu.memory_space<vmem>>, vector<1x16xf32>,
        %get3A_361 = arith.index_cast %scan3A_261 : i32 to index
        %get3A_362 = arith.constant 96 : index
        %get3A_363 = tpu.vector_load %arg12[%get3A_361, %get3A_362] {strides = array<i32>} : memref<128x128xf32, #tpu.memory_space<vmem>>, vector<1x16xf32>,
        %get3A_364 = vector.shape_cast %get3A_363 : vector<1x16xf32> to vector<16xf32>
        %get3A_365 = arith.index_cast %scan3A_261 : i32 to index
        %get3A_366 = arith.constant 96 : index
        %get3A_367 = tpu.vector_load %arg10[%get3A_365, %get3A_366] {strides = array<i32>} : memref<128x128xf32, #tpu.memory_space<vmem>>, vector<1x16xf32>,
        %get3A_368 = vector.shape_cast %get3A_367 : vector<1x16xf32> to vector<16xf32>
        %add3A_369 = arith.addf %get3A_364, %get3A_368 : vector<16xf32>
        %max3A_370 = arith.constant 0.000000e+00 : f32
        %max3A_371 = vector.broadcast %max3A_370 : f32 to vector<16xf32>
        %max3A_372 = arith.maximumf %add3A_369, %max3A_371 : vector<16xf32>
        %swap3A_373 = arith.index_cast %scan3A_261 : i32 to index
        %swap3A_374 = arith.constant 96 : index
        %swap3A_375 = tpu.vector_load %arg12[%swap3A_373, %swap3A_374] {strides = array<i32>} : memref<128x128xf32, #tpu.memory_space<vmem>>, vector<1x16xf32>,
        %swap3A_376 = vector.shape_cast %swap3A_375 : vector<1x16xf32> to vector<16xf32>
        %swap3A_377 = vector.shape_cast %max3A_372 : vector<16xf32> to vector<1x16xf32>
        tpu.vector_store %arg12[%swap3A_373, %swap3A_374], %swap3A_377 {strides = array<i32>} : memref<128x128xf32, #tpu.memory_space<vmem>>, vector<1x16xf32>,
        %get3A_378 = arith.index_cast %scan3A_261 : i32 to index
        %get3A_379 = arith.constant 112 : index
        %get3A_380 = tpu.vector_load %arg12[%get3A_378, %get3A_379] {strides = array<i32>} : memref<128x128xf32, #tpu.memory_space<vmem>>, vector<1x16xf32>,
        %get3A_381 = vector.shape_cast %get3A_380 : vector<1x16xf32> to vector<16xf32>
        %get3A_382 = arith.index_cast %scan3A_261 : i32 to index
        %get3A_383 = arith.constant 112 : index
        %get3A_384 = tpu.vector_load %arg10[%get3A_382, %get3A_383] {strides = array<i32>} : memref<128x128xf32, #tpu.memory_space<vmem>>, vector<1x16xf32>,
        %get3A_385 = vector.shape_cast %get3A_384 : vector<1x16xf32> to vector<16xf32>
        %add3A_386 = arith.addf %get3A_381, %get3A_385 : vector<16xf32>
        %max3A_387 = arith.constant 0.000000e+00 : f32
        %max3A_388 = vector.broadcast %max3A_387 : f32 to vector<16xf32>
        %max3A_389 = arith.maximumf %add3A_386, %max3A_388 : vector<16xf32>
        %swap3A_390 = arith.index_cast %scan3A_261 : i32 to index
        %swap3A_391 = arith.constant 112 : index
        %swap3A_392 = tpu.vector_load %arg12[%swap3A_390, %swap3A_391] {strides = array<i32>} : memref<128x128xf32, #tpu.memory_space<vmem>>, vector<1x16xf32>,
        %swap3A_393 = vector.shape_cast %swap3A_392 : vector<1x16xf32> to vector<16xf32>
        %swap3A_394 = vector.shape_cast %max3A_389 : vector<16xf32> to vector<1x16xf32>
        tpu.vector_store %arg12[%swap3A_390, %swap3A_391], %swap3A_394 {strides = array<i32>} : memref<128x128xf32, #tpu.memory_space<vmem>>, vector<1x16xf32>,
      }
      %scan3A_241 = arith.constant 128 : i32
      %dma_start3A_242 = arith.constant 0 : i32
      %dma_start3A_243 = arith.constant 0 : i32
      %dma_start3A_244 = tpu.memref_slice %arg9[%rem3A_215, %dma_start3A_242, %dma_start3A_243] : memref<3x1x128xi32, #tpu.memory_space<vmem>> -> memref<1x1x128xi32, #tpu.memory_space<vmem>>
      %dma_start3A_245 = tpu.memref_squeeze %dma_start3A_244 : memref<1x1x128xi32, #tpu.memory_space<vmem>> -> memref<128xi32, #tpu.memory_space<vmem>>
      %dma_start3A_246 = arith.constant 0 : i32
      %dma_start3A_247 = arith.constant 0 : i32
      %dma_start3A_248 = tpu.memref_slice %arg13[%dma_start3A_246, %dma_start3A_247] : memref<10112x128xf32, #tpu.memory_space<vmem_shared>> -> memref<10112x128xf32, #tpu.memory_space<vmem_shared>>
      tpu.enqueue_indirect_dma source(%arg12 : memref<128x128xf32, #tpu.memory_space<vmem>>) target(%dma_start3A_248 : memref<10112x128xf32, #tpu.memory_space<vmem_shared>>) offsets(%dma_start3A_245 : memref<128xi32, #tpu.memory_space<vmem>>) semaphore(%arg20 : memref<!tpu.dma_semaphore, #tpu.memory_space<semaphore_mem>>) {add = true}
      %add3A_249 = arith.constant 1 : i32
      %add3A_250 = arith.addi %add3A_213, %add3A_249 : i32
      %lt3A_251 = arith.cmpi slt, %add3A_250, %select_n3A : i32
      %convert_element_type3A_252 = arith.extui %lt3A_251 : i1 to i32
      %cond3A_253 = arith.constant 0 : i32
      %cond3A_254 = arith.cmpi ne, %convert_element_type3A_252, %cond3A_253 : i32
      scf.if %cond3A_254 {
        %add3A_261 = arith.constant 1 : i32
        %add3A_262 = arith.addi %add3A_213, %add3A_261 : i32
        %mul3A_263 = arith.constant 128 : i32
        %mul3A_264 = arith.muli %add3A_262, %mul3A_263 : i32
        %add3A_265 = arith.addi %multiple_of3A, %mul3A_264 : i32
        %dma_start3A_266 = arith.constant 0 : i32
        %dma_start3A_267 = tpu.memref_slice %arg3[%add3A_265, %dma_start3A_266] : memref<327680x128xf32, #tpu.memory_space<hbm>> -> memref<128x128xf32, #tpu.memory_space<hbm>>
        %dma_start3A_268 = arith.constant 0 : i32
        %dma_start3A_269 = tpu.memref_slice %arg3[%add3A_265, %dma_start3A_268] : memref<327680x128xf32, #tpu.memory_space<hbm>> -> memref<128x128xf32, #tpu.memory_space<hbm>>
        tpu.enqueue_dma source(%dma_start3A_269 : memref<128x128xf32, #tpu.memory_space<hbm>>) target(%arg10 : memref<128x128xf32, #tpu.memory_space<vmem>>) target_semaphore(%arg16 : memref<!tpu.dma_semaphore, #tpu.memory_space<semaphore_mem>>)
        %dma_wait3A_270 = arith.constant 0 : i32
        %dma_wait3A_271 = arith.constant 0 : i32
        %dma_wait3A_272 = arith.constant 0 : i32
        %dma_wait3A_273 = tpu.memref_slice %arg8[%dma_wait3A_270, %dma_wait3A_271, %dma_wait3A_272] : memref<3x1x128xi32, #tpu.memory_space<vmem>> -> memref<1x1x128xi32, #tpu.memory_space<vmem>>
        %dma_wait3A_274 = tpu.memref_squeeze %dma_wait3A_273 : memref<1x1x128xi32, #tpu.memory_space<vmem>> -> memref<1x128xi32, #tpu.memory_space<vmem>>
        %dma_wait3A_275 = arith.constant 0 : i32
        %dma_wait3A_276 = tpu.memref_slice %arg4[%select_n3A_19, %dma_wait3A_275] : memref<2560x128xi32, #tpu.memory_space<hbm>> -> memref<1x128xi32, #tpu.memory_space<hbm>>
        %dma_wait3A_277 = arith.constant 0 : i32
        %dma_wait3A_278 = arith.constant 0 : i32
        %dma_wait3A_279 = tpu.memref_slice %arg8[%dma_wait3A_270, %dma_wait3A_277, %dma_wait3A_278] : memref<3x1x128xi32, #tpu.memory_space<vmem>> -> memref<1x1x128xi32, #tpu.memory_space<vmem>>
        %dma_wait3A_280 = tpu.memref_squeeze %dma_wait3A_279 : memref<1x1x128xi32, #tpu.memory_space<vmem>> -> memref<1x128xi32, #tpu.memory_space<vmem>>
        %dma_wait3A_281 = arith.constant 0 : i32
        %dma_wait3A_282 = tpu.memref_slice %arg4[%select_n3A_19, %dma_wait3A_281] : memref<2560x128xi32, #tpu.memory_space<hbm>> -> memref<1x128xi32, #tpu.memory_space<hbm>>
        tpu.wait_dma2 semaphore(%arg14 : memref<!tpu.dma_semaphore, #tpu.memory_space<semaphore_mem>>) src(%dma_wait3A_282 : memref<1x128xi32, #tpu.memory_space<hbm>>) dst(%dma_wait3A_280 : memref<1x128xi32, #tpu.memory_space<vmem>>)
        %dma_wait3A_283 = arith.constant 0 : i32
        %dma_wait3A_284 = arith.constant 0 : i32
        %dma_wait3A_285 = arith.constant 0 : i32
        %dma_wait3A_286 = tpu.memref_slice %arg9[%dma_wait3A_283, %dma_wait3A_284, %dma_wait3A_285] : memref<3x1x128xi32, #tpu.memory_space<vmem>> -> memref<1x1x128xi32, #tpu.memory_space<vmem>>
        %dma_wait3A_287 = tpu.memref_squeeze %dma_wait3A_286 : memref<1x1x128xi32, #tpu.memory_space<vmem>> -> memref<1x128xi32, #tpu.memory_space<vmem>>
        %dma_wait3A_288 = arith.constant 0 : i32
        %dma_wait3A_289 = tpu.memref_slice %arg5[%select_n3A_19, %dma_wait3A_288] : memref<2560x128xi32, #tpu.memory_space<hbm>> -> memref<1x128xi32, #tpu.memory_space<hbm>>
        %dma_wait3A_290 = arith.constant 0 : i32
        %dma_wait3A_291 = arith.constant 0 : i32
        %dma_wait3A_292 = tpu.memref_slice %arg9[%dma_wait3A_283, %dma_wait3A_290, %dma_wait3A_291] : memref<3x1x128xi32, #tpu.memory_space<vmem>> -> memref<1x1x128xi32, #tpu.memory_space<vmem>>
        %dma_wait3A_293 = tpu.memref_squeeze %dma_wait3A_292 : memref<1x1x128xi32, #tpu.memory_space<vmem>> -> memref<1x128xi32, #tpu.memory_space<vmem>>
        %dma_wait3A_294 = arith.constant 0 : i32
        %dma_wait3A_295 = tpu.memref_slice %arg5[%select_n3A_19, %dma_wait3A_294] : memref<2560x128xi32, #tpu.memory_space<hbm>> -> memref<1x128xi32, #tpu.memory_space<hbm>>
        tpu.wait_dma2 semaphore(%arg14 : memref<!tpu.dma_semaphore, #tpu.memory_space<semaphore_mem>>) src(%dma_wait3A_295 : memref<1x128xi32, #tpu.memory_space<hbm>>) dst(%dma_wait3A_293 : memref<1x128xi32, #tpu.memory_space<vmem>>)
        %ge3A = arith.constant 1 : i32
        %ge3A_296 = arith.cmpi sge, %add3A_213, %ge3A : i32
        %convert_element_type3A_297 = arith.extui %ge3A_296 : i1 to i32
        %cond3A_298 = arith.constant 0 : i32
        %cond3A_299 = arith.cmpi ne, %convert_element_type3A_297, %cond3A_298 : i32
        scf.if %cond3A_299 {
          %dma_wait3A_309 = arith.constant 0 : i32
          %dma_wait3A_310 = arith.constant 0 : i32
          %dma_wait3A_311 = arith.constant 0 : i32
          %dma_wait3A_312 = tpu.memref_slice %arg9[%dma_wait3A_309, %dma_wait3A_310, %dma_wait3A_311] : memref<3x1x128xi32, #tpu.memory_space<vmem>> -> memref<1x1x128xi32, #tpu.memory_space<vmem>>
          %dma_wait3A_313 = tpu.memref_squeeze %dma_wait3A_312 : memref<1x1x128xi32, #tpu.memory_space<vmem>> -> memref<128xi32, #tpu.memory_space<vmem>>
          %dma_wait3A_314 = arith.constant 0 : i32
          %dma_wait3A_315 = arith.constant 0 : i32
          %dma_wait3A_316 = tpu.memref_slice %arg13[%dma_wait3A_314, %dma_wait3A_315] : memref<10112x128xf32, #tpu.memory_space<vmem_shared>> -> memref<10112x128xf32, #tpu.memory_space<vmem_shared>>
          tpu.wait_indirect_dma semaphore(%arg19 : memref<!tpu.dma_semaphore, #tpu.memory_space<semaphore_mem>>) src(%arg11 : memref<128x128xf32, #tpu.memory_space<vmem>>) dst(%dma_wait3A_316 : memref<10112x128xf32, #tpu.memory_space<vmem_shared>>)
        } else {
        }
        %add3A_300 = arith.constant 1 : i32
        %add3A_301 = arith.addi %add3A_213, %add3A_300 : i32
        %dma_start3A_302 = arith.constant 0 : i32
        %dma_start3A_303 = arith.constant 0 : i32
        %dma_start3A_304 = tpu.memref_slice %arg8[%rem3A_219, %dma_start3A_302, %dma_start3A_303] : memref<3x1x128xi32, #tpu.memory_space<vmem>> -> memref<1x1x128xi32, #tpu.memory_space<vmem>>
        %dma_start3A_305 = tpu.memref_squeeze %dma_start3A_304 : memref<1x1x128xi32, #tpu.memory_space<vmem>> -> memref<128xi32, #tpu.memory_space<vmem>>
        %dma_start3A_306 = arith.constant 0 : i32
        %dma_start3A_307 = arith.constant 0 : i32
        %dma_start3A_308 = tpu.memref_slice %arg2[%dma_start3A_306, %dma_start3A_307] : memref<10000x128xf32, #tpu.memory_space<hbm>> -> memref<10000x128xf32, #tpu.memory_space<hbm>>
        tpu.enqueue_indirect_dma source(%dma_start3A_308 : memref<10000x128xf32, #tpu.memory_space<hbm>>) target(%arg11 : memref<128x128xf32, #tpu.memory_space<vmem>>) offsets(%dma_start3A_305 : memref<128xi32, #tpu.memory_space<vmem>>) semaphore(%arg17 : memref<!tpu.dma_semaphore, #tpu.memory_space<semaphore_mem>>)
      } else {
      }
      %add3A_255 = arith.constant 2 : i32
      %add3A_256 = arith.addi %add3A_213, %add3A_255 : i32
      %lt3A_257 = arith.cmpi slt, %add3A_256, %select_n3A : i32
      %convert_element_type3A_258 = arith.extui %lt3A_257 : i1 to i32
      %cond3A_259 = arith.constant 0 : i32
      %cond3A_260 = arith.cmpi ne, %convert_element_type3A_258, %cond3A_259 : i32
      scf.if %cond3A_260 {
        %add3A_261 = arith.constant 2 : i32
        %add3A_262 = arith.addi %add3A_213, %add3A_261 : i32
        %add3A_263 = arith.addi %select_n3A_19, %add3A_262 : i32
        %dma_start3A_264 = arith.constant 0 : i32
        %dma_start3A_265 = arith.constant 0 : i32
        %dma_start3A_266 = tpu.memref_slice %arg8[%rem3A_223, %dma_start3A_264, %dma_start3A_265] : memref<3x1x128xi32, #tpu.memory_space<vmem>> -> memref<1x1x128xi32, #tpu.memory_space<vmem>>
        %dma_start3A_267 = tpu.memref_squeeze %dma_start3A_266 : memref<1x1x128xi32, #tpu.memory_space<vmem>> -> memref<1x128xi32, #tpu.memory_space<vmem>>
        %dma_start3A_268 = arith.constant 0 : i32
        %dma_start3A_269 = tpu.memref_slice %arg4[%add3A_263, %dma_start3A_268] : memref<2560x128xi32, #tpu.memory_space<hbm>> -> memref<1x128xi32, #tpu.memory_space<hbm>>
        %dma_start3A_270 = arith.constant 0 : i32
        %dma_start3A_271 = arith.constant 0 : i32
        %dma_start3A_272 = tpu.memref_slice %arg8[%rem3A_223, %dma_start3A_270, %dma_start3A_271] : memref<3x1x128xi32, #tpu.memory_space<vmem>> -> memref<1x1x128xi32, #tpu.memory_space<vmem>>
        %dma_start3A_273 = tpu.memref_squeeze %dma_start3A_272 : memref<1x1x128xi32, #tpu.memory_space<vmem>> -> memref<1x128xi32, #tpu.memory_space<vmem>>
        %dma_start3A_274 = arith.constant 0 : i32
        %dma_start3A_275 = tpu.memref_slice %arg4[%add3A_263, %dma_start3A_274] : memref<2560x128xi32, #tpu.memory_space<hbm>> -> memref<1x128xi32, #tpu.memory_space<hbm>>
        tpu.enqueue_dma source(%dma_start3A_275 : memref<1x128xi32, #tpu.memory_space<hbm>>) target(%dma_start3A_273 : memref<1x128xi32, #tpu.memory_space<vmem>>) target_semaphore(%arg15 : memref<!tpu.dma_semaphore, #tpu.memory_space<semaphore_mem>>)
        %add3A_276 = arith.addi %select_n3A_19, %add3A_262 : i32
        %dma_start3A_277 = arith.constant 0 : i32
        %dma_start3A_278 = arith.constant 0 : i32
        %dma_start3A_279 = tpu.memref_slice %arg9[%rem3A_223, %dma_start3A_277, %dma_start3A_278] : memref<3x1x128xi32, #tpu.memory_space<vmem>> -> memref<1x1x128xi32, #tpu.memory_space<vmem>>
        %dma_start3A_280 = tpu.memref_squeeze %dma_start3A_279 : memref<1x1x128xi32, #tpu.memory_space<vmem>> -> memref<1x128xi32, #tpu.memory_space<vmem>>
        %dma_start3A_281 = arith.constant 0 : i32
        %dma_start3A_282 = tpu.memref_slice %arg5[%add3A_276, %dma_start3A_281] : memref<2560x128xi32, #tpu.memory_space<hbm>> -> memref<1x128xi32, #tpu.memory_space<hbm>>
        %dma_start3A_283 = arith.constant 0 : i32
        %dma_start3A_284 = arith.constant 0 : i32
        %dma_start3A_285 = tpu.memref_slice %arg9[%rem3A_223, %dma_start3A_283, %dma_start3A_284] : memref<3x1x128xi32, #tpu.memory_space<vmem>> -> memref<1x1x128xi32, #tpu.memory_space<vmem>>
        %dma_start3A_286 = tpu.memref_squeeze %dma_start3A_285 : memref<1x1x128xi32, #tpu.memory_space<vmem>> -> memref<1x128xi32, #tpu.memory_space<vmem>>
        %dma_start3A_287 = arith.constant 0 : i32
        %dma_start3A_288 = tpu.memref_slice %arg5[%add3A_276, %dma_start3A_287] : memref<2560x128xi32, #tpu.memory_space<hbm>> -> memref<1x128xi32, #tpu.memory_space<hbm>>
        tpu.enqueue_dma source(%dma_start3A_288 : memref<1x128xi32, #tpu.memory_space<hbm>>) target(%dma_start3A_286 : memref<1x128xi32, #tpu.memory_space<vmem>>) target_semaphore(%arg15 : memref<!tpu.dma_semaphore, #tpu.memory_space<semaphore_mem>>)
      } else {
      }
    }
    %while3A_144 = arith.constant 1 : i32
    scf.for %while3A_162 = %while3A_142 to %while3A_138 step %while3A_144  : i32 {
      %mul3A_163 = arith.constant 2 : i32
      %mul3A_164 = arith.muli %mul3A_163, %while3A_162 : i32
      %add3A_165 = arith.constant 0 : i32
      %add3A_166 = arith.addi %mul3A_164, %add3A_165 : i32
      %rem3A_167 = arith.constant 3 : i32
      %rem3A_168 = arith.remsi %add3A_166, %rem3A_167 : i32
      %add3A_169 = arith.constant 1 : i32
      %add3A_170 = arith.addi %add3A_166, %add3A_169 : i32
      %rem3A_171 = arith.constant 3 : i32
      %rem3A_172 = arith.remsi %add3A_170, %rem3A_171 : i32
      %add3A_173 = arith.constant 2 : i32
      %add3A_174 = arith.addi %add3A_166, %add3A_173 : i32
      %rem3A_175 = arith.constant 3 : i32
      %rem3A_176 = arith.remsi %add3A_174, %rem3A_175 : i32
      %dma_wait3A_177 = arith.constant 0 : i32
      %dma_wait3A_178 = arith.constant 0 : i32
      %dma_wait3A_179 = arith.constant 0 : i32
      %dma_wait3A_180 = tpu.memref_slice %arg8[%dma_wait3A_177, %dma_wait3A_178, %dma_wait3A_179] : memref<3x1x128xi32, #tpu.memory_space<vmem>> -> memref<1x1x128xi32, #tpu.memory_space<vmem>>
      %dma_wait3A_181 = tpu.memref_squeeze %dma_wait3A_180 : memref<1x1x128xi32, #tpu.memory_space<vmem>> -> memref<128xi32, #tpu.memory_space<vmem>>
      %dma_wait3A_182 = arith.constant 0 : i32
      %dma_wait3A_183 = arith.constant 0 : i32
      %dma_wait3A_184 = tpu.memref_slice %arg2[%dma_wait3A_182, %dma_wait3A_183] : memref<10000x128xf32, #tpu.memory_space<hbm>> -> memref<10000x128xf32, #tpu.memory_space<hbm>>
      tpu.wait_indirect_dma semaphore(%arg17 : memref<!tpu.dma_semaphore, #tpu.memory_space<semaphore_mem>>) src(%dma_wait3A_184 : memref<10000x128xf32, #tpu.memory_space<hbm>>) dst(%arg11 : memref<128x128xf32, #tpu.memory_space<vmem>>)
      %dma_wait3A_185 = arith.constant 0 : i32
      %dma_wait3A_186 = tpu.memref_slice %arg3[%multiple_of3A, %dma_wait3A_185] : memref<327680x128xf32, #tpu.memory_space<hbm>> -> memref<128x128xf32, #tpu.memory_space<hbm>>
      %dma_wait3A_187 = arith.constant 0 : i32
      %dma_wait3A_188 = tpu.memref_slice %arg3[%multiple_of3A, %dma_wait3A_187] : memref<327680x128xf32, #tpu.memory_space<hbm>> -> memref<128x128xf32, #tpu.memory_space<hbm>>
      tpu.wait_dma2 semaphore(%arg16 : memref<!tpu.dma_semaphore, #tpu.memory_space<semaphore_mem>>) src(%dma_wait3A_188 : memref<128x128xf32, #tpu.memory_space<hbm>>) dst(%arg10 : memref<128x128xf32, #tpu.memory_space<vmem>>)
      %scan3A = arith.constant 0 : i32
      %scan3A_189 = arith.constant 0 : i32
      %scan3A_190 = arith.constant 128 : i32
      %scan3A_191 = arith.addi %scan3A_189, %scan3A_190 : i32
      %scan3A_192 = arith.constant 1 : i32
      scf.for %scan3A_261 = %scan3A_189 to %scan3A_191 step %scan3A_192  : i32 {
        %get3A = arith.index_cast %scan3A_261 : i32 to index
        %get3A_262 = arith.constant 0 : index
        %get3A_263 = tpu.vector_load %arg11[%get3A, %get3A_262] {strides = array<i32>} : memref<128x128xf32, #tpu.memory_space<vmem>>, vector<1x16xf32>,
        %get3A_264 = vector.shape_cast %get3A_263 : vector<1x16xf32> to vector<16xf32>
        %get3A_265 = arith.index_cast %scan3A_261 : i32 to index
        %get3A_266 = arith.constant 0 : index
        %get3A_267 = tpu.vector_load %arg10[%get3A_265, %get3A_266] {strides = array<i32>} : memref<128x128xf32, #tpu.memory_space<vmem>>, vector<1x16xf32>,
        %get3A_268 = vector.shape_cast %get3A_267 : vector<1x16xf32> to vector<16xf32>
        %add3A_269 = arith.addf %get3A_264, %get3A_268 : vector<16xf32>
        %max3A = arith.constant 0.000000e+00 : f32
        %max3A_270 = vector.broadcast %max3A : f32 to vector<16xf32>
        %max3A_271 = arith.maximumf %add3A_269, %max3A_270 : vector<16xf32>
        %swap3A = arith.index_cast %scan3A_261 : i32 to index
        %swap3A_272 = arith.constant 0 : index
        %swap3A_273 = tpu.vector_load %arg11[%swap3A, %swap3A_272] {strides = array<i32>} : memref<128x128xf32, #tpu.memory_space<vmem>>, vector<1x16xf32>,
        %swap3A_274 = vector.shape_cast %swap3A_273 : vector<1x16xf32> to vector<16xf32>
        %swap3A_275 = vector.shape_cast %max3A_271 : vector<16xf32> to vector<1x16xf32>
        tpu.vector_store %arg11[%swap3A, %swap3A_272], %swap3A_275 {strides = array<i32>} : memref<128x128xf32, #tpu.memory_space<vmem>>, vector<1x16xf32>,
        %get3A_276 = arith.index_cast %scan3A_261 : i32 to index
        %get3A_277 = arith.constant 16 : index
        %get3A_278 = tpu.vector_load %arg11[%get3A_276, %get3A_277] {strides = array<i32>} : memref<128x128xf32, #tpu.memory_space<vmem>>, vector<1x16xf32>,
        %get3A_279 = vector.shape_cast %get3A_278 : vector<1x16xf32> to vector<16xf32>
        %get3A_280 = arith.index_cast %scan3A_261 : i32 to index
        %get3A_281 = arith.constant 16 : index
        %get3A_282 = tpu.vector_load %arg10[%get3A_280, %get3A_281] {strides = array<i32>} : memref<128x128xf32, #tpu.memory_space<vmem>>, vector<1x16xf32>,
        %get3A_283 = vector.shape_cast %get3A_282 : vector<1x16xf32> to vector<16xf32>
        %add3A_284 = arith.addf %get3A_279, %get3A_283 : vector<16xf32>
        %max3A_285 = arith.constant 0.000000e+00 : f32
        %max3A_286 = vector.broadcast %max3A_285 : f32 to vector<16xf32>
        %max3A_287 = arith.maximumf %add3A_284, %max3A_286 : vector<16xf32>
        %swap3A_288 = arith.index_cast %scan3A_261 : i32 to index
        %swap3A_289 = arith.constant 16 : index
        %swap3A_290 = tpu.vector_load %arg11[%swap3A_288, %swap3A_289] {strides = array<i32>} : memref<128x128xf32, #tpu.memory_space<vmem>>, vector<1x16xf32>,
        %swap3A_291 = vector.shape_cast %swap3A_290 : vector<1x16xf32> to vector<16xf32>
        %swap3A_292 = vector.shape_cast %max3A_287 : vector<16xf32> to vector<1x16xf32>
        tpu.vector_store %arg11[%swap3A_288, %swap3A_289], %swap3A_292 {strides = array<i32>} : memref<128x128xf32, #tpu.memory_space<vmem>>, vector<1x16xf32>,
        %get3A_293 = arith.index_cast %scan3A_261 : i32 to index
        %get3A_294 = arith.constant 32 : index
        %get3A_295 = tpu.vector_load %arg11[%get3A_293, %get3A_294] {strides = array<i32>} : memref<128x128xf32, #tpu.memory_space<vmem>>, vector<1x16xf32>,
        %get3A_296 = vector.shape_cast %get3A_295 : vector<1x16xf32> to vector<16xf32>
        %get3A_297 = arith.index_cast %scan3A_261 : i32 to index
        %get3A_298 = arith.constant 32 : index
        %get3A_299 = tpu.vector_load %arg10[%get3A_297, %get3A_298] {strides = array<i32>} : memref<128x128xf32, #tpu.memory_space<vmem>>, vector<1x16xf32>,
        %get3A_300 = vector.shape_cast %get3A_299 : vector<1x16xf32> to vector<16xf32>
        %add3A_301 = arith.addf %get3A_296, %get3A_300 : vector<16xf32>
        %max3A_302 = arith.constant 0.000000e+00 : f32
        %max3A_303 = vector.broadcast %max3A_302 : f32 to vector<16xf32>
        %max3A_304 = arith.maximumf %add3A_301, %max3A_303 : vector<16xf32>
        %swap3A_305 = arith.index_cast %scan3A_261 : i32 to index
        %swap3A_306 = arith.constant 32 : index
        %swap3A_307 = tpu.vector_load %arg11[%swap3A_305, %swap3A_306] {strides = array<i32>} : memref<128x128xf32, #tpu.memory_space<vmem>>, vector<1x16xf32>,
        %swap3A_308 = vector.shape_cast %swap3A_307 : vector<1x16xf32> to vector<16xf32>
        %swap3A_309 = vector.shape_cast %max3A_304 : vector<16xf32> to vector<1x16xf32>
        tpu.vector_store %arg11[%swap3A_305, %swap3A_306], %swap3A_309 {strides = array<i32>} : memref<128x128xf32, #tpu.memory_space<vmem>>, vector<1x16xf32>,
        %get3A_310 = arith.index_cast %scan3A_261 : i32 to index
        %get3A_311 = arith.constant 48 : index
        %get3A_312 = tpu.vector_load %arg11[%get3A_310, %get3A_311] {strides = array<i32>} : memref<128x128xf32, #tpu.memory_space<vmem>>, vector<1x16xf32>,
        %get3A_313 = vector.shape_cast %get3A_312 : vector<1x16xf32> to vector<16xf32>
        %get3A_314 = arith.index_cast %scan3A_261 : i32 to index
        %get3A_315 = arith.constant 48 : index
        %get3A_316 = tpu.vector_load %arg10[%get3A_314, %get3A_315] {strides = array<i32>} : memref<128x128xf32, #tpu.memory_space<vmem>>, vector<1x16xf32>,
        %get3A_317 = vector.shape_cast %get3A_316 : vector<1x16xf32> to vector<16xf32>
        %add3A_318 = arith.addf %get3A_313, %get3A_317 : vector<16xf32>
        %max3A_319 = arith.constant 0.000000e+00 : f32
        %max3A_320 = vector.broadcast %max3A_319 : f32 to vector<16xf32>
        %max3A_321 = arith.maximumf %add3A_318, %max3A_320 : vector<16xf32>
        %swap3A_322 = arith.index_cast %scan3A_261 : i32 to index
        %swap3A_323 = arith.constant 48 : index
        %swap3A_324 = tpu.vector_load %arg11[%swap3A_322, %swap3A_323] {strides = array<i32>} : memref<128x128xf32, #tpu.memory_space<vmem>>, vector<1x16xf32>,
        %swap3A_325 = vector.shape_cast %swap3A_324 : vector<1x16xf32> to vector<16xf32>
        %swap3A_326 = vector.shape_cast %max3A_321 : vector<16xf32> to vector<1x16xf32>
        tpu.vector_store %arg11[%swap3A_322, %swap3A_323], %swap3A_326 {strides = array<i32>} : memref<128x128xf32, #tpu.memory_space<vmem>>, vector<1x16xf32>,
        %get3A_327 = arith.index_cast %scan3A_261 : i32 to index
        %get3A_328 = arith.constant 64 : index
        %get3A_329 = tpu.vector_load %arg11[%get3A_327, %get3A_328] {strides = array<i32>} : memref<128x128xf32, #tpu.memory_space<vmem>>, vector<1x16xf32>,
        %get3A_330 = vector.shape_cast %get3A_329 : vector<1x16xf32> to vector<16xf32>
        %get3A_331 = arith.index_cast %scan3A_261 : i32 to index
        %get3A_332 = arith.constant 64 : index
        %get3A_333 = tpu.vector_load %arg10[%get3A_331, %get3A_332] {strides = array<i32>} : memref<128x128xf32, #tpu.memory_space<vmem>>, vector<1x16xf32>,
        %get3A_334 = vector.shape_cast %get3A_333 : vector<1x16xf32> to vector<16xf32>
        %add3A_335 = arith.addf %get3A_330, %get3A_334 : vector<16xf32>
        %max3A_336 = arith.constant 0.000000e+00 : f32
        %max3A_337 = vector.broadcast %max3A_336 : f32 to vector<16xf32>
        %max3A_338 = arith.maximumf %add3A_335, %max3A_337 : vector<16xf32>
        %swap3A_339 = arith.index_cast %scan3A_261 : i32 to index
        %swap3A_340 = arith.constant 64 : index
        %swap3A_341 = tpu.vector_load %arg11[%swap3A_339, %swap3A_340] {strides = array<i32>} : memref<128x128xf32, #tpu.memory_space<vmem>>, vector<1x16xf32>,
        %swap3A_342 = vector.shape_cast %swap3A_341 : vector<1x16xf32> to vector<16xf32>
        %swap3A_343 = vector.shape_cast %max3A_338 : vector<16xf32> to vector<1x16xf32>
        tpu.vector_store %arg11[%swap3A_339, %swap3A_340], %swap3A_343 {strides = array<i32>} : memref<128x128xf32, #tpu.memory_space<vmem>>, vector<1x16xf32>,
        %get3A_344 = arith.index_cast %scan3A_261 : i32 to index
        %get3A_345 = arith.constant 80 : index
        %get3A_346 = tpu.vector_load %arg11[%get3A_344, %get3A_345] {strides = array<i32>} : memref<128x128xf32, #tpu.memory_space<vmem>>, vector<1x16xf32>,
        %get3A_347 = vector.shape_cast %get3A_346 : vector<1x16xf32> to vector<16xf32>
        %get3A_348 = arith.index_cast %scan3A_261 : i32 to index
        %get3A_349 = arith.constant 80 : index
        %get3A_350 = tpu.vector_load %arg10[%get3A_348, %get3A_349] {strides = array<i32>} : memref<128x128xf32, #tpu.memory_space<vmem>>, vector<1x16xf32>,
        %get3A_351 = vector.shape_cast %get3A_350 : vector<1x16xf32> to vector<16xf32>
        %add3A_352 = arith.addf %get3A_347, %get3A_351 : vector<16xf32>
        %max3A_353 = arith.constant 0.000000e+00 : f32
        %max3A_354 = vector.broadcast %max3A_353 : f32 to vector<16xf32>
        %max3A_355 = arith.maximumf %add3A_352, %max3A_354 : vector<16xf32>
        %swap3A_356 = arith.index_cast %scan3A_261 : i32 to index
        %swap3A_357 = arith.constant 80 : index
        %swap3A_358 = tpu.vector_load %arg11[%swap3A_356, %swap3A_357] {strides = array<i32>} : memref<128x128xf32, #tpu.memory_space<vmem>>, vector<1x16xf32>,
        %swap3A_359 = vector.shape_cast %swap3A_358 : vector<1x16xf32> to vector<16xf32>
        %swap3A_360 = vector.shape_cast %max3A_355 : vector<16xf32> to vector<1x16xf32>
        tpu.vector_store %arg11[%swap3A_356, %swap3A_357], %swap3A_360 {strides = array<i32>} : memref<128x128xf32, #tpu.memory_space<vmem>>, vector<1x16xf32>,
        %get3A_361 = arith.index_cast %scan3A_261 : i32 to index
        %get3A_362 = arith.constant 96 : index
        %get3A_363 = tpu.vector_load %arg11[%get3A_361, %get3A_362] {strides = array<i32>} : memref<128x128xf32, #tpu.memory_space<vmem>>, vector<1x16xf32>,
        %get3A_364 = vector.shape_cast %get3A_363 : vector<1x16xf32> to vector<16xf32>
        %get3A_365 = arith.index_cast %scan3A_261 : i32 to index
        %get3A_366 = arith.constant 96 : index
        %get3A_367 = tpu.vector_load %arg10[%get3A_365, %get3A_366] {strides = array<i32>} : memref<128x128xf32, #tpu.memory_space<vmem>>, vector<1x16xf32>,
        %get3A_368 = vector.shape_cast %get3A_367 : vector<1x16xf32> to vector<16xf32>
        %add3A_369 = arith.addf %get3A_364, %get3A_368 : vector<16xf32>
        %max3A_370 = arith.constant 0.000000e+00 : f32
        %max3A_371 = vector.broadcast %max3A_370 : f32 to vector<16xf32>
        %max3A_372 = arith.maximumf %add3A_369, %max3A_371 : vector<16xf32>
        %swap3A_373 = arith.index_cast %scan3A_261 : i32 to index
        %swap3A_374 = arith.constant 96 : index
        %swap3A_375 = tpu.vector_load %arg11[%swap3A_373, %swap3A_374] {strides = array<i32>} : memref<128x128xf32, #tpu.memory_space<vmem>>, vector<1x16xf32>,
        %swap3A_376 = vector.shape_cast %swap3A_375 : vector<1x16xf32> to vector<16xf32>
        %swap3A_377 = vector.shape_cast %max3A_372 : vector<16xf32> to vector<1x16xf32>
        tpu.vector_store %arg11[%swap3A_373, %swap3A_374], %swap3A_377 {strides = array<i32>} : memref<128x128xf32, #tpu.memory_space<vmem>>, vector<1x16xf32>,
        %get3A_378 = arith.index_cast %scan3A_261 : i32 to index
        %get3A_379 = arith.constant 112 : index
        %get3A_380 = tpu.vector_load %arg11[%get3A_378, %get3A_379] {strides = array<i32>} : memref<128x128xf32, #tpu.memory_space<vmem>>, vector<1x16xf32>,
        %get3A_381 = vector.shape_cast %get3A_380 : vector<1x16xf32> to vector<16xf32>
        %get3A_382 = arith.index_cast %scan3A_261 : i32 to index
        %get3A_383 = arith.constant 112 : index
        %get3A_384 = tpu.vector_load %arg10[%get3A_382, %get3A_383] {strides = array<i32>} : memref<128x128xf32, #tpu.memory_space<vmem>>, vector<1x16xf32>,
        %get3A_385 = vector.shape_cast %get3A_384 : vector<1x16xf32> to vector<16xf32>
        %add3A_386 = arith.addf %get3A_381, %get3A_385 : vector<16xf32>
        %max3A_387 = arith.constant 0.000000e+00 : f32
        %max3A_388 = vector.broadcast %max3A_387 : f32 to vector<16xf32>
        %max3A_389 = arith.maximumf %add3A_386, %max3A_388 : vector<16xf32>
        %swap3A_390 = arith.index_cast %scan3A_261 : i32 to index
        %swap3A_391 = arith.constant 112 : index
        %swap3A_392 = tpu.vector_load %arg11[%swap3A_390, %swap3A_391] {strides = array<i32>} : memref<128x128xf32, #tpu.memory_space<vmem>>, vector<1x16xf32>,
        %swap3A_393 = vector.shape_cast %swap3A_392 : vector<1x16xf32> to vector<16xf32>
        %swap3A_394 = vector.shape_cast %max3A_389 : vector<16xf32> to vector<1x16xf32>
        tpu.vector_store %arg11[%swap3A_390, %swap3A_391], %swap3A_394 {strides = array<i32>} : memref<128x128xf32, #tpu.memory_space<vmem>>, vector<1x16xf32>,
      }
      %scan3A_193 = arith.constant 128 : i32
      %dma_start3A_194 = arith.constant 0 : i32
      %dma_start3A_195 = arith.constant 0 : i32
      %dma_start3A_196 = tpu.memref_slice %arg9[%rem3A_168, %dma_start3A_194, %dma_start3A_195] : memref<3x1x128xi32, #tpu.memory_space<vmem>> -> memref<1x1x128xi32, #tpu.memory_space<vmem>>
      %dma_start3A_197 = tpu.memref_squeeze %dma_start3A_196 : memref<1x1x128xi32, #tpu.memory_space<vmem>> -> memref<128xi32, #tpu.memory_space<vmem>>
      %dma_start3A_198 = arith.constant 0 : i32
      %dma_start3A_199 = arith.constant 0 : i32
      %dma_start3A_200 = tpu.memref_slice %arg13[%dma_start3A_198, %dma_start3A_199] : memref<10112x128xf32, #tpu.memory_space<vmem_shared>> -> memref<10112x128xf32, #tpu.memory_space<vmem_shared>>
      tpu.enqueue_indirect_dma source(%arg11 : memref<128x128xf32, #tpu.memory_space<vmem>>) target(%dma_start3A_200 : memref<10112x128xf32, #tpu.memory_space<vmem_shared>>) offsets(%dma_start3A_197 : memref<128xi32, #tpu.memory_space<vmem>>) semaphore(%arg19 : memref<!tpu.dma_semaphore, #tpu.memory_space<semaphore_mem>>) {add = true}
      %add3A_201 = arith.constant 1 : i32
      %add3A_202 = arith.addi %add3A_166, %add3A_201 : i32
      %lt3A = arith.cmpi slt, %add3A_202, %select_n3A : i32
      %convert_element_type3A = arith.extui %lt3A : i1 to i32
      %cond3A = arith.constant 0 : i32
      %cond3A_203 = arith.cmpi ne, %convert_element_type3A, %cond3A : i32
      scf.if %cond3A_203 {
        %add3A_261 = arith.constant 1 : i32
        %add3A_262 = arith.addi %add3A_166, %add3A_261 : i32
        %mul3A_263 = arith.constant 128 : i32
        %mul3A_264 = arith.muli %add3A_262, %mul3A_263 : i32
        %add3A_265 = arith.addi %multiple_of3A, %mul3A_264 : i32
        %dma_start3A_266 = arith.constant 0 : i32
        %dma_start3A_267 = tpu.memref_slice %arg3[%add3A_265, %dma_start3A_266] : memref<327680x128xf32, #tpu.memory_space<hbm>> -> memref<128x128xf32, #tpu.memory_space<hbm>>
        %dma_start3A_268 = arith.constant 0 : i32
        %dma_start3A_269 = tpu.memref_slice %arg3[%add3A_265, %dma_start3A_268] : memref<327680x128xf32, #tpu.memory_space<hbm>> -> memref<128x128xf32, #tpu.memory_space<hbm>>
        tpu.enqueue_dma source(%dma_start3A_269 : memref<128x128xf32, #tpu.memory_space<hbm>>) target(%arg10 : memref<128x128xf32, #tpu.memory_space<vmem>>) target_semaphore(%arg16 : memref<!tpu.dma_semaphore, #tpu.memory_space<semaphore_mem>>)
        %dma_wait3A_270 = arith.constant 0 : i32
        %dma_wait3A_271 = arith.constant 0 : i32
        %dma_wait3A_272 = arith.constant 0 : i32
        %dma_wait3A_273 = tpu.memref_slice %arg8[%dma_wait3A_270, %dma_wait3A_271, %dma_wait3A_272] : memref<3x1x128xi32, #tpu.memory_space<vmem>> -> memref<1x1x128xi32, #tpu.memory_space<vmem>>
        %dma_wait3A_274 = tpu.memref_squeeze %dma_wait3A_273 : memref<1x1x128xi32, #tpu.memory_space<vmem>> -> memref<1x128xi32, #tpu.memory_space<vmem>>
        %dma_wait3A_275 = arith.constant 0 : i32
        %dma_wait3A_276 = tpu.memref_slice %arg4[%select_n3A_19, %dma_wait3A_275] : memref<2560x128xi32, #tpu.memory_space<hbm>> -> memref<1x128xi32, #tpu.memory_space<hbm>>
        %dma_wait3A_277 = arith.constant 0 : i32
        %dma_wait3A_278 = arith.constant 0 : i32
        %dma_wait3A_279 = tpu.memref_slice %arg8[%dma_wait3A_270, %dma_wait3A_277, %dma_wait3A_278] : memref<3x1x128xi32, #tpu.memory_space<vmem>> -> memref<1x1x128xi32, #tpu.memory_space<vmem>>
        %dma_wait3A_280 = tpu.memref_squeeze %dma_wait3A_279 : memref<1x1x128xi32, #tpu.memory_space<vmem>> -> memref<1x128xi32, #tpu.memory_space<vmem>>
        %dma_wait3A_281 = arith.constant 0 : i32
        %dma_wait3A_282 = tpu.memref_slice %arg4[%select_n3A_19, %dma_wait3A_281] : memref<2560x128xi32, #tpu.memory_space<hbm>> -> memref<1x128xi32, #tpu.memory_space<hbm>>
        tpu.wait_dma2 semaphore(%arg15 : memref<!tpu.dma_semaphore, #tpu.memory_space<semaphore_mem>>) src(%dma_wait3A_282 : memref<1x128xi32, #tpu.memory_space<hbm>>) dst(%dma_wait3A_280 : memref<1x128xi32, #tpu.memory_space<vmem>>)
        %dma_wait3A_283 = arith.constant 0 : i32
        %dma_wait3A_284 = arith.constant 0 : i32
        %dma_wait3A_285 = arith.constant 0 : i32
        %dma_wait3A_286 = tpu.memref_slice %arg9[%dma_wait3A_283, %dma_wait3A_284, %dma_wait3A_285] : memref<3x1x128xi32, #tpu.memory_space<vmem>> -> memref<1x1x128xi32, #tpu.memory_space<vmem>>
        %dma_wait3A_287 = tpu.memref_squeeze %dma_wait3A_286 : memref<1x1x128xi32, #tpu.memory_space<vmem>> -> memref<1x128xi32, #tpu.memory_space<vmem>>
        %dma_wait3A_288 = arith.constant 0 : i32
        %dma_wait3A_289 = tpu.memref_slice %arg5[%select_n3A_19, %dma_wait3A_288] : memref<2560x128xi32, #tpu.memory_space<hbm>> -> memref<1x128xi32, #tpu.memory_space<hbm>>
        %dma_wait3A_290 = arith.constant 0 : i32
        %dma_wait3A_291 = arith.constant 0 : i32
        %dma_wait3A_292 = tpu.memref_slice %arg9[%dma_wait3A_283, %dma_wait3A_290, %dma_wait3A_291] : memref<3x1x128xi32, #tpu.memory_space<vmem>> -> memref<1x1x128xi32, #tpu.memory_space<vmem>>
        %dma_wait3A_293 = tpu.memref_squeeze %dma_wait3A_292 : memref<1x1x128xi32, #tpu.memory_space<vmem>> -> memref<1x128xi32, #tpu.memory_space<vmem>>
        %dma_wait3A_294 = arith.constant 0 : i32
        %dma_wait3A_295 = tpu.memref_slice %arg5[%select_n3A_19, %dma_wait3A_294] : memref<2560x128xi32, #tpu.memory_space<hbm>> -> memref<1x128xi32, #tpu.memory_space<hbm>>
        tpu.wait_dma2 semaphore(%arg15 : memref<!tpu.dma_semaphore, #tpu.memory_space<semaphore_mem>>) src(%dma_wait3A_295 : memref<1x128xi32, #tpu.memory_space<hbm>>) dst(%dma_wait3A_293 : memref<1x128xi32, #tpu.memory_space<vmem>>)
        %ge3A = arith.constant 1 : i32
        %ge3A_296 = arith.cmpi sge, %add3A_166, %ge3A : i32
        %convert_element_type3A_297 = arith.extui %ge3A_296 : i1 to i32
        %cond3A_298 = arith.constant 0 : i32
        %cond3A_299 = arith.cmpi ne, %convert_element_type3A_297, %cond3A_298 : i32
        scf.if %cond3A_299 {
          %dma_wait3A_309 = arith.constant 0 : i32
          %dma_wait3A_310 = arith.constant 0 : i32
          %dma_wait3A_311 = arith.constant 0 : i32
          %dma_wait3A_312 = tpu.memref_slice %arg9[%dma_wait3A_309, %dma_wait3A_310, %dma_wait3A_311] : memref<3x1x128xi32, #tpu.memory_space<vmem>> -> memref<1x1x128xi32, #tpu.memory_space<vmem>>
          %dma_wait3A_313 = tpu.memref_squeeze %dma_wait3A_312 : memref<1x1x128xi32, #tpu.memory_space<vmem>> -> memref<128xi32, #tpu.memory_space<vmem>>
          %dma_wait3A_314 = arith.constant 0 : i32
          %dma_wait3A_315 = arith.constant 0 : i32
          %dma_wait3A_316 = tpu.memref_slice %arg13[%dma_wait3A_314, %dma_wait3A_315] : memref<10112x128xf32, #tpu.memory_space<vmem_shared>> -> memref<10112x128xf32, #tpu.memory_space<vmem_shared>>
          tpu.wait_indirect_dma semaphore(%arg20 : memref<!tpu.dma_semaphore, #tpu.memory_space<semaphore_mem>>) src(%arg12 : memref<128x128xf32, #tpu.memory_space<vmem>>) dst(%dma_wait3A_316 : memref<10112x128xf32, #tpu.memory_space<vmem_shared>>)
        } else {
        }
        %add3A_300 = arith.constant 1 : i32
        %add3A_301 = arith.addi %add3A_166, %add3A_300 : i32
        %dma_start3A_302 = arith.constant 0 : i32
        %dma_start3A_303 = arith.constant 0 : i32
        %dma_start3A_304 = tpu.memref_slice %arg8[%rem3A_172, %dma_start3A_302, %dma_start3A_303] : memref<3x1x128xi32, #tpu.memory_space<vmem>> -> memref<1x1x128xi32, #tpu.memory_space<vmem>>
        %dma_start3A_305 = tpu.memref_squeeze %dma_start3A_304 : memref<1x1x128xi32, #tpu.memory_space<vmem>> -> memref<128xi32, #tpu.memory_space<vmem>>
        %dma_start3A_306 = arith.constant 0 : i32
        %dma_start3A_307 = arith.constant 0 : i32
        %dma_start3A_308 = tpu.memref_slice %arg2[%dma_start3A_306, %dma_start3A_307] : memref<10000x128xf32, #tpu.memory_space<hbm>> -> memref<10000x128xf32, #tpu.memory_space<hbm>>
        tpu.enqueue_indirect_dma source(%dma_start3A_308 : memref<10000x128xf32, #tpu.memory_space<hbm>>) target(%arg12 : memref<128x128xf32, #tpu.memory_space<vmem>>) offsets(%dma_start3A_305 : memref<128xi32, #tpu.memory_space<vmem>>) semaphore(%arg18 : memref<!tpu.dma_semaphore, #tpu.memory_space<semaphore_mem>>)
      } else {
      }
      %add3A_204 = arith.constant 2 : i32
      %add3A_205 = arith.addi %add3A_166, %add3A_204 : i32
      %lt3A_206 = arith.cmpi slt, %add3A_205, %select_n3A : i32
      %convert_element_type3A_207 = arith.extui %lt3A_206 : i1 to i32
      %cond3A_208 = arith.constant 0 : i32
      %cond3A_209 = arith.cmpi ne, %convert_element_type3A_207, %cond3A_208 : i32
      scf.if %cond3A_209 {
        %add3A_261 = arith.constant 2 : i32
        %add3A_262 = arith.addi %add3A_166, %add3A_261 : i32
        %add3A_263 = arith.addi %select_n3A_19, %add3A_262 : i32
        %dma_start3A_264 = arith.constant 0 : i32
        %dma_start3A_265 = arith.constant 0 : i32
        %dma_start3A_266 = tpu.memref_slice %arg8[%rem3A_176, %dma_start3A_264, %dma_start3A_265] : memref<3x1x128xi32, #tpu.memory_space<vmem>> -> memref<1x1x128xi32, #tpu.memory_space<vmem>>
        %dma_start3A_267 = tpu.memref_squeeze %dma_start3A_266 : memref<1x1x128xi32, #tpu.memory_space<vmem>> -> memref<1x128xi32, #tpu.memory_space<vmem>>
        %dma_start3A_268 = arith.constant 0 : i32
        %dma_start3A_269 = tpu.memref_slice %arg4[%add3A_263, %dma_start3A_268] : memref<2560x128xi32, #tpu.memory_space<hbm>> -> memref<1x128xi32, #tpu.memory_space<hbm>>
        %dma_start3A_270 = arith.constant 0 : i32
        %dma_start3A_271 = arith.constant 0 : i32
        %dma_start3A_272 = tpu.memref_slice %arg8[%rem3A_176, %dma_start3A_270, %dma_start3A_271] : memref<3x1x128xi32, #tpu.memory_space<vmem>> -> memref<1x1x128xi32, #tpu.memory_space<vmem>>
        %dma_start3A_273 = tpu.memref_squeeze %dma_start3A_272 : memref<1x1x128xi32, #tpu.memory_space<vmem>> -> memref<1x128xi32, #tpu.memory_space<vmem>>
        %dma_start3A_274 = arith.constant 0 : i32
        %dma_start3A_275 = tpu.memref_slice %arg4[%add3A_263, %dma_start3A_274] : memref<2560x128xi32, #tpu.memory_space<hbm>> -> memref<1x128xi32, #tpu.memory_space<hbm>>
        tpu.enqueue_dma source(%dma_start3A_275 : memref<1x128xi32, #tpu.memory_space<hbm>>) target(%dma_start3A_273 : memref<1x128xi32, #tpu.memory_space<vmem>>) target_semaphore(%arg14 : memref<!tpu.dma_semaphore, #tpu.memory_space<semaphore_mem>>)
        %add3A_276 = arith.addi %select_n3A_19, %add3A_262 : i32
        %dma_start3A_277 = arith.constant 0 : i32
        %dma_start3A_278 = arith.constant 0 : i32
        %dma_start3A_279 = tpu.memref_slice %arg9[%rem3A_176, %dma_start3A_277, %dma_start3A_278] : memref<3x1x128xi32, #tpu.memory_space<vmem>> -> memref<1x1x128xi32, #tpu.memory_space<vmem>>
        %dma_start3A_280 = tpu.memref_squeeze %dma_start3A_279 : memref<1x1x128xi32, #tpu.memory_space<vmem>> -> memref<1x128xi32, #tpu.memory_space<vmem>>
        %dma_start3A_281 = arith.constant 0 : i32
        %dma_start3A_282 = tpu.memref_slice %arg5[%add3A_276, %dma_start3A_281] : memref<2560x128xi32, #tpu.memory_space<hbm>> -> memref<1x128xi32, #tpu.memory_space<hbm>>
        %dma_start3A_283 = arith.constant 0 : i32
        %dma_start3A_284 = arith.constant 0 : i32
        %dma_start3A_285 = tpu.memref_slice %arg9[%rem3A_176, %dma_start3A_283, %dma_start3A_284] : memref<3x1x128xi32, #tpu.memory_space<vmem>> -> memref<1x1x128xi32, #tpu.memory_space<vmem>>
        %dma_start3A_286 = tpu.memref_squeeze %dma_start3A_285 : memref<1x1x128xi32, #tpu.memory_space<vmem>> -> memref<1x128xi32, #tpu.memory_space<vmem>>
        %dma_start3A_287 = arith.constant 0 : i32
        %dma_start3A_288 = tpu.memref_slice %arg5[%add3A_276, %dma_start3A_287] : memref<2560x128xi32, #tpu.memory_space<hbm>> -> memref<1x128xi32, #tpu.memory_space<hbm>>
        tpu.enqueue_dma source(%dma_start3A_288 : memref<1x128xi32, #tpu.memory_space<hbm>>) target(%dma_start3A_286 : memref<1x128xi32, #tpu.memory_space<vmem>>) target_semaphore(%arg14 : memref<!tpu.dma_semaphore, #tpu.memory_space<semaphore_mem>>)
      } else {
      }
      %mul3A_210 = arith.constant 2 : i32
      %mul3A_211 = arith.muli %mul3A_210, %while3A_162 : i32
      %add3A_212 = arith.constant 1 : i32
      %add3A_213 = arith.addi %mul3A_211, %add3A_212 : i32
      %rem3A_214 = arith.constant 3 : i32
      %rem3A_215 = arith.remsi %add3A_213, %rem3A_214 : i32
      %add3A_216 = arith.constant 1 : i32
      %add3A_217 = arith.addi %add3A_213, %add3A_216 : i32
      %rem3A_218 = arith.constant 3 : i32
      %rem3A_219 = arith.remsi %add3A_217, %rem3A_218 : i32
      %add3A_220 = arith.constant 2 : i32
      %add3A_221 = arith.addi %add3A_213, %add3A_220 : i32
      %rem3A_222 = arith.constant 3 : i32
      %rem3A_223 = arith.remsi %add3A_221, %rem3A_222 : i32
      %dma_wait3A_224 = arith.constant 0 : i32
      %dma_wait3A_225 = arith.constant 0 : i32
      %dma_wait3A_226 = arith.constant 0 : i32
      %dma_wait3A_227 = tpu.memref_slice %arg8[%dma_wait3A_224, %dma_wait3A_225, %dma_wait3A_226] : memref<3x1x128xi32, #tpu.memory_space<vmem>> -> memref<1x1x128xi32, #tpu.memory_space<vmem>>
      %dma_wait3A_228 = tpu.memref_squeeze %dma_wait3A_227 : memref<1x1x128xi32, #tpu.memory_space<vmem>> -> memref<128xi32, #tpu.memory_space<vmem>>
      %dma_wait3A_229 = arith.constant 0 : i32
      %dma_wait3A_230 = arith.constant 0 : i32
      %dma_wait3A_231 = tpu.memref_slice %arg2[%dma_wait3A_229, %dma_wait3A_230] : memref<10000x128xf32, #tpu.memory_space<hbm>> -> memref<10000x128xf32, #tpu.memory_space<hbm>>
      tpu.wait_indirect_dma semaphore(%arg18 : memref<!tpu.dma_semaphore, #tpu.memory_space<semaphore_mem>>) src(%dma_wait3A_231 : memref<10000x128xf32, #tpu.memory_space<hbm>>) dst(%arg12 : memref<128x128xf32, #tpu.memory_space<vmem>>)
      %dma_wait3A_232 = arith.constant 0 : i32
      %dma_wait3A_233 = tpu.memref_slice %arg3[%multiple_of3A, %dma_wait3A_232] : memref<327680x128xf32, #tpu.memory_space<hbm>> -> memref<128x128xf32, #tpu.memory_space<hbm>>
      %dma_wait3A_234 = arith.constant 0 : i32
      %dma_wait3A_235 = tpu.memref_slice %arg3[%multiple_of3A, %dma_wait3A_234] : memref<327680x128xf32, #tpu.memory_space<hbm>> -> memref<128x128xf32, #tpu.memory_space<hbm>>
      tpu.wait_dma2 semaphore(%arg16 : memref<!tpu.dma_semaphore, #tpu.memory_space<semaphore_mem>>) src(%dma_wait3A_235 : memref<128x128xf32, #tpu.memory_space<hbm>>) dst(%arg10 : memref<128x128xf32, #tpu.memory_space<vmem>>)
      %scan3A_236 = arith.constant 0 : i32
      %scan3A_237 = arith.constant 0 : i32
      %scan3A_238 = arith.constant 128 : i32
      %scan3A_239 = arith.addi %scan3A_237, %scan3A_238 : i32
      %scan3A_240 = arith.constant 1 : i32
      scf.for %scan3A_261 = %scan3A_237 to %scan3A_239 step %scan3A_240  : i32 {
        %get3A = arith.index_cast %scan3A_261 : i32 to index
        %get3A_262 = arith.constant 0 : index
        %get3A_263 = tpu.vector_load %arg12[%get3A, %get3A_262] {strides = array<i32>} : memref<128x128xf32, #tpu.memory_space<vmem>>, vector<1x16xf32>,
        %get3A_264 = vector.shape_cast %get3A_263 : vector<1x16xf32> to vector<16xf32>
        %get3A_265 = arith.index_cast %scan3A_261 : i32 to index
        %get3A_266 = arith.constant 0 : index
        %get3A_267 = tpu.vector_load %arg10[%get3A_265, %get3A_266] {strides = array<i32>} : memref<128x128xf32, #tpu.memory_space<vmem>>, vector<1x16xf32>,
        %get3A_268 = vector.shape_cast %get3A_267 : vector<1x16xf32> to vector<16xf32>
        %add3A_269 = arith.addf %get3A_264, %get3A_268 : vector<16xf32>
        %max3A = arith.constant 0.000000e+00 : f32
        %max3A_270 = vector.broadcast %max3A : f32 to vector<16xf32>
        %max3A_271 = arith.maximumf %add3A_269, %max3A_270 : vector<16xf32>
        %swap3A = arith.index_cast %scan3A_261 : i32 to index
        %swap3A_272 = arith.constant 0 : index
        %swap3A_273 = tpu.vector_load %arg12[%swap3A, %swap3A_272] {strides = array<i32>} : memref<128x128xf32, #tpu.memory_space<vmem>>, vector<1x16xf32>,
        %swap3A_274 = vector.shape_cast %swap3A_273 : vector<1x16xf32> to vector<16xf32>
        %swap3A_275 = vector.shape_cast %max3A_271 : vector<16xf32> to vector<1x16xf32>
        tpu.vector_store %arg12[%swap3A, %swap3A_272], %swap3A_275 {strides = array<i32>} : memref<128x128xf32, #tpu.memory_space<vmem>>, vector<1x16xf32>,
        %get3A_276 = arith.index_cast %scan3A_261 : i32 to index
        %get3A_277 = arith.constant 16 : index
        %get3A_278 = tpu.vector_load %arg12[%get3A_276, %get3A_277] {strides = array<i32>} : memref<128x128xf32, #tpu.memory_space<vmem>>, vector<1x16xf32>,
        %get3A_279 = vector.shape_cast %get3A_278 : vector<1x16xf32> to vector<16xf32>
        %get3A_280 = arith.index_cast %scan3A_261 : i32 to index
        %get3A_281 = arith.constant 16 : index
        %get3A_282 = tpu.vector_load %arg10[%get3A_280, %get3A_281] {strides = array<i32>} : memref<128x128xf32, #tpu.memory_space<vmem>>, vector<1x16xf32>,
        %get3A_283 = vector.shape_cast %get3A_282 : vector<1x16xf32> to vector<16xf32>
        %add3A_284 = arith.addf %get3A_279, %get3A_283 : vector<16xf32>
        %max3A_285 = arith.constant 0.000000e+00 : f32
        %max3A_286 = vector.broadcast %max3A_285 : f32 to vector<16xf32>
        %max3A_287 = arith.maximumf %add3A_284, %max3A_286 : vector<16xf32>
        %swap3A_288 = arith.index_cast %scan3A_261 : i32 to index
        %swap3A_289 = arith.constant 16 : index
        %swap3A_290 = tpu.vector_load %arg12[%swap3A_288, %swap3A_289] {strides = array<i32>} : memref<128x128xf32, #tpu.memory_space<vmem>>, vector<1x16xf32>,
        %swap3A_291 = vector.shape_cast %swap3A_290 : vector<1x16xf32> to vector<16xf32>
        %swap3A_292 = vector.shape_cast %max3A_287 : vector<16xf32> to vector<1x16xf32>
        tpu.vector_store %arg12[%swap3A_288, %swap3A_289], %swap3A_292 {strides = array<i32>} : memref<128x128xf32, #tpu.memory_space<vmem>>, vector<1x16xf32>,
        %get3A_293 = arith.index_cast %scan3A_261 : i32 to index
        %get3A_294 = arith.constant 32 : index
        %get3A_295 = tpu.vector_load %arg12[%get3A_293, %get3A_294] {strides = array<i32>} : memref<128x128xf32, #tpu.memory_space<vmem>>, vector<1x16xf32>,
        %get3A_296 = vector.shape_cast %get3A_295 : vector<1x16xf32> to vector<16xf32>
        %get3A_297 = arith.index_cast %scan3A_261 : i32 to index
        %get3A_298 = arith.constant 32 : index
        %get3A_299 = tpu.vector_load %arg10[%get3A_297, %get3A_298] {strides = array<i32>} : memref<128x128xf32, #tpu.memory_space<vmem>>, vector<1x16xf32>,
        %get3A_300 = vector.shape_cast %get3A_299 : vector<1x16xf32> to vector<16xf32>
        %add3A_301 = arith.addf %get3A_296, %get3A_300 : vector<16xf32>
        %max3A_302 = arith.constant 0.000000e+00 : f32
        %max3A_303 = vector.broadcast %max3A_302 : f32 to vector<16xf32>
        %max3A_304 = arith.maximumf %add3A_301, %max3A_303 : vector<16xf32>
        %swap3A_305 = arith.index_cast %scan3A_261 : i32 to index
        %swap3A_306 = arith.constant 32 : index
        %swap3A_307 = tpu.vector_load %arg12[%swap3A_305, %swap3A_306] {strides = array<i32>} : memref<128x128xf32, #tpu.memory_space<vmem>>, vector<1x16xf32>,
        %swap3A_308 = vector.shape_cast %swap3A_307 : vector<1x16xf32> to vector<16xf32>
        %swap3A_309 = vector.shape_cast %max3A_304 : vector<16xf32> to vector<1x16xf32>
        tpu.vector_store %arg12[%swap3A_305, %swap3A_306], %swap3A_309 {strides = array<i32>} : memref<128x128xf32, #tpu.memory_space<vmem>>, vector<1x16xf32>,
        %get3A_310 = arith.index_cast %scan3A_261 : i32 to index
        %get3A_311 = arith.constant 48 : index
        %get3A_312 = tpu.vector_load %arg12[%get3A_310, %get3A_311] {strides = array<i32>} : memref<128x128xf32, #tpu.memory_space<vmem>>, vector<1x16xf32>,
        %get3A_313 = vector.shape_cast %get3A_312 : vector<1x16xf32> to vector<16xf32>
        %get3A_314 = arith.index_cast %scan3A_261 : i32 to index
        %get3A_315 = arith.constant 48 : index
        %get3A_316 = tpu.vector_load %arg10[%get3A_314, %get3A_315] {strides = array<i32>} : memref<128x128xf32, #tpu.memory_space<vmem>>, vector<1x16xf32>,
        %get3A_317 = vector.shape_cast %get3A_316 : vector<1x16xf32> to vector<16xf32>
        %add3A_318 = arith.addf %get3A_313, %get3A_317 : vector<16xf32>
        %max3A_319 = arith.constant 0.000000e+00 : f32
        %max3A_320 = vector.broadcast %max3A_319 : f32 to vector<16xf32>
        %max3A_321 = arith.maximumf %add3A_318, %max3A_320 : vector<16xf32>
        %swap3A_322 = arith.index_cast %scan3A_261 : i32 to index
        %swap3A_323 = arith.constant 48 : index
        %swap3A_324 = tpu.vector_load %arg12[%swap3A_322, %swap3A_323] {strides = array<i32>} : memref<128x128xf32, #tpu.memory_space<vmem>>, vector<1x16xf32>,
        %swap3A_325 = vector.shape_cast %swap3A_324 : vector<1x16xf32> to vector<16xf32>
        %swap3A_326 = vector.shape_cast %max3A_321 : vector<16xf32> to vector<1x16xf32>
        tpu.vector_store %arg12[%swap3A_322, %swap3A_323], %swap3A_326 {strides = array<i32>} : memref<128x128xf32, #tpu.memory_space<vmem>>, vector<1x16xf32>,
        %get3A_327 = arith.index_cast %scan3A_261 : i32 to index
        %get3A_328 = arith.constant 64 : index
        %get3A_329 = tpu.vector_load %arg12[%get3A_327, %get3A_328] {strides = array<i32>} : memref<128x128xf32, #tpu.memory_space<vmem>>, vector<1x16xf32>,
        %get3A_330 = vector.shape_cast %get3A_329 : vector<1x16xf32> to vector<16xf32>
        %get3A_331 = arith.index_cast %scan3A_261 : i32 to index
        %get3A_332 = arith.constant 64 : index
        %get3A_333 = tpu.vector_load %arg10[%get3A_331, %get3A_332] {strides = array<i32>} : memref<128x128xf32, #tpu.memory_space<vmem>>, vector<1x16xf32>,
        %get3A_334 = vector.shape_cast %get3A_333 : vector<1x16xf32> to vector<16xf32>
        %add3A_335 = arith.addf %get3A_330, %get3A_334 : vector<16xf32>
        %max3A_336 = arith.constant 0.000000e+00 : f32
        %max3A_337 = vector.broadcast %max3A_336 : f32 to vector<16xf32>
        %max3A_338 = arith.maximumf %add3A_335, %max3A_337 : vector<16xf32>
        %swap3A_339 = arith.index_cast %scan3A_261 : i32 to index
        %swap3A_340 = arith.constant 64 : index
        %swap3A_341 = tpu.vector_load %arg12[%swap3A_339, %swap3A_340] {strides = array<i32>} : memref<128x128xf32, #tpu.memory_space<vmem>>, vector<1x16xf32>,
        %swap3A_342 = vector.shape_cast %swap3A_341 : vector<1x16xf32> to vector<16xf32>
        %swap3A_343 = vector.shape_cast %max3A_338 : vector<16xf32> to vector<1x16xf32>
        tpu.vector_store %arg12[%swap3A_339, %swap3A_340], %swap3A_343 {strides = array<i32>} : memref<128x128xf32, #tpu.memory_space<vmem>>, vector<1x16xf32>,
        %get3A_344 = arith.index_cast %scan3A_261 : i32 to index
        %get3A_345 = arith.constant 80 : index
        %get3A_346 = tpu.vector_load %arg12[%get3A_344, %get3A_345] {strides = array<i32>} : memref<128x128xf32, #tpu.memory_space<vmem>>, vector<1x16xf32>,
        %get3A_347 = vector.shape_cast %get3A_346 : vector<1x16xf32> to vector<16xf32>
        %get3A_348 = arith.index_cast %scan3A_261 : i32 to index
        %get3A_349 = arith.constant 80 : index
        %get3A_350 = tpu.vector_load %arg10[%get3A_348, %get3A_349] {strides = array<i32>} : memref<128x128xf32, #tpu.memory_space<vmem>>, vector<1x16xf32>,
        %get3A_351 = vector.shape_cast %get3A_350 : vector<1x16xf32> to vector<16xf32>
        %add3A_352 = arith.addf %get3A_347, %get3A_351 : vector<16xf32>
        %max3A_353 = arith.constant 0.000000e+00 : f32
        %max3A_354 = vector.broadcast %max3A_353 : f32 to vector<16xf32>
        %max3A_355 = arith.maximumf %add3A_352, %max3A_354 : vector<16xf32>
        %swap3A_356 = arith.index_cast %scan3A_261 : i32 to index
        %swap3A_357 = arith.constant 80 : index
        %swap3A_358 = tpu.vector_load %arg12[%swap3A_356, %swap3A_357] {strides = array<i32>} : memref<128x128xf32, #tpu.memory_space<vmem>>, vector<1x16xf32>,
        %swap3A_359 = vector.shape_cast %swap3A_358 : vector<1x16xf32> to vector<16xf32>
        %swap3A_360 = vector.shape_cast %max3A_355 : vector<16xf32> to vector<1x16xf32>
        tpu.vector_store %arg12[%swap3A_356, %swap3A_357], %swap3A_360 {strides = array<i32>} : memref<128x128xf32, #tpu.memory_space<vmem>>, vector<1x16xf32>,
        %get3A_361 = arith.index_cast %scan3A_261 : i32 to index
        %get3A_362 = arith.constant 96 : index
        %get3A_363 = tpu.vector_load %arg12[%get3A_361, %get3A_362] {strides = array<i32>} : memref<128x128xf32, #tpu.memory_space<vmem>>, vector<1x16xf32>,
        %get3A_364 = vector.shape_cast %get3A_363 : vector<1x16xf32> to vector<16xf32>
        %get3A_365 = arith.index_cast %scan3A_261 : i32 to index
        %get3A_366 = arith.constant 96 : index
        %get3A_367 = tpu.vector_load %arg10[%get3A_365, %get3A_366] {strides = array<i32>} : memref<128x128xf32, #tpu.memory_space<vmem>>, vector<1x16xf32>,
        %get3A_368 = vector.shape_cast %get3A_367 : vector<1x16xf32> to vector<16xf32>
        %add3A_369 = arith.addf %get3A_364, %get3A_368 : vector<16xf32>
        %max3A_370 = arith.constant 0.000000e+00 : f32
        %max3A_371 = vector.broadcast %max3A_370 : f32 to vector<16xf32>
        %max3A_372 = arith.maximumf %add3A_369, %max3A_371 : vector<16xf32>
        %swap3A_373 = arith.index_cast %scan3A_261 : i32 to index
        %swap3A_374 = arith.constant 96 : index
        %swap3A_375 = tpu.vector_load %arg12[%swap3A_373, %swap3A_374] {strides = array<i32>} : memref<128x128xf32, #tpu.memory_space<vmem>>, vector<1x16xf32>,
        %swap3A_376 = vector.shape_cast %swap3A_375 : vector<1x16xf32> to vector<16xf32>
        %swap3A_377 = vector.shape_cast %max3A_372 : vector<16xf32> to vector<1x16xf32>
        tpu.vector_store %arg12[%swap3A_373, %swap3A_374], %swap3A_377 {strides = array<i32>} : memref<128x128xf32, #tpu.memory_space<vmem>>, vector<1x16xf32>,
        %get3A_378 = arith.index_cast %scan3A_261 : i32 to index
        %get3A_379 = arith.constant 112 : index
        %get3A_380 = tpu.vector_load %arg12[%get3A_378, %get3A_379] {strides = array<i32>} : memref<128x128xf32, #tpu.memory_space<vmem>>, vector<1x16xf32>,
        %get3A_381 = vector.shape_cast %get3A_380 : vector<1x16xf32> to vector<16xf32>
        %get3A_382 = arith.index_cast %scan3A_261 : i32 to index
        %get3A_383 = arith.constant 112 : index
        %get3A_384 = tpu.vector_load %arg10[%get3A_382, %get3A_383] {strides = array<i32>} : memref<128x128xf32, #tpu.memory_space<vmem>>, vector<1x16xf32>,
        %get3A_385 = vector.shape_cast %get3A_384 : vector<1x16xf32> to vector<16xf32>
        %add3A_386 = arith.addf %get3A_381, %get3A_385 : vector<16xf32>
        %max3A_387 = arith.constant 0.000000e+00 : f32
        %max3A_388 = vector.broadcast %max3A_387 : f32 to vector<16xf32>
        %max3A_389 = arith.maximumf %add3A_386, %max3A_388 : vector<16xf32>
        %swap3A_390 = arith.index_cast %scan3A_261 : i32 to index
        %swap3A_391 = arith.constant 112 : index
        %swap3A_392 = tpu.vector_load %arg12[%swap3A_390, %swap3A_391] {strides = array<i32>} : memref<128x128xf32, #tpu.memory_space<vmem>>, vector<1x16xf32>,
        %swap3A_393 = vector.shape_cast %swap3A_392 : vector<1x16xf32> to vector<16xf32>
        %swap3A_394 = vector.shape_cast %max3A_389 : vector<16xf32> to vector<1x16xf32>
        tpu.vector_store %arg12[%swap3A_390, %swap3A_391], %swap3A_394 {strides = array<i32>} : memref<128x128xf32, #tpu.memory_space<vmem>>, vector<1x16xf32>,
      }
      %scan3A_241 = arith.constant 128 : i32
      %dma_start3A_242 = arith.constant 0 : i32
      %dma_start3A_243 = arith.constant 0 : i32
      %dma_start3A_244 = tpu.memref_slice %arg9[%rem3A_215, %dma_start3A_242, %dma_start3A_243] : memref<3x1x128xi32, #tpu.memory_space<vmem>> -> memref<1x1x128xi32, #tpu.memory_space<vmem>>
      %dma_start3A_245 = tpu.memref_squeeze %dma_start3A_244 : memref<1x1x128xi32, #tpu.memory_space<vmem>> -> memref<128xi32, #tpu.memory_space<vmem>>
      %dma_start3A_246 = arith.constant 0 : i32
      %dma_start3A_247 = arith.constant 0 : i32
      %dma_start3A_248 = tpu.memref_slice %arg13[%dma_start3A_246, %dma_start3A_247] : memref<10112x128xf32, #tpu.memory_space<vmem_shared>> -> memref<10112x128xf32, #tpu.memory_space<vmem_shared>>
      tpu.enqueue_indirect_dma source(%arg12 : memref<128x128xf32, #tpu.memory_space<vmem>>) target(%dma_start3A_248 : memref<10112x128xf32, #tpu.memory_space<vmem_shared>>) offsets(%dma_start3A_245 : memref<128xi32, #tpu.memory_space<vmem>>) semaphore(%arg20 : memref<!tpu.dma_semaphore, #tpu.memory_space<semaphore_mem>>) {add = true}
      %add3A_249 = arith.constant 1 : i32
      %add3A_250 = arith.addi %add3A_213, %add3A_249 : i32
      %lt3A_251 = arith.cmpi slt, %add3A_250, %select_n3A : i32
      %convert_element_type3A_252 = arith.extui %lt3A_251 : i1 to i32
      %cond3A_253 = arith.constant 0 : i32
      %cond3A_254 = arith.cmpi ne, %convert_element_type3A_252, %cond3A_253 : i32
      scf.if %cond3A_254 {
        %add3A_261 = arith.constant 1 : i32
        %add3A_262 = arith.addi %add3A_213, %add3A_261 : i32
        %mul3A_263 = arith.constant 128 : i32
        %mul3A_264 = arith.muli %add3A_262, %mul3A_263 : i32
        %add3A_265 = arith.addi %multiple_of3A, %mul3A_264 : i32
        %dma_start3A_266 = arith.constant 0 : i32
        %dma_start3A_267 = tpu.memref_slice %arg3[%add3A_265, %dma_start3A_266] : memref<327680x128xf32, #tpu.memory_space<hbm>> -> memref<128x128xf32, #tpu.memory_space<hbm>>
        %dma_start3A_268 = arith.constant 0 : i32
        %dma_start3A_269 = tpu.memref_slice %arg3[%add3A_265, %dma_start3A_268] : memref<327680x128xf32, #tpu.memory_space<hbm>> -> memref<128x128xf32, #tpu.memory_space<hbm>>
        tpu.enqueue_dma source(%dma_start3A_269 : memref<128x128xf32, #tpu.memory_space<hbm>>) target(%arg10 : memref<128x128xf32, #tpu.memory_space<vmem>>) target_semaphore(%arg16 : memref<!tpu.dma_semaphore, #tpu.memory_space<semaphore_mem>>)
        %dma_wait3A_270 = arith.constant 0 : i32
        %dma_wait3A_271 = arith.constant 0 : i32
        %dma_wait3A_272 = arith.constant 0 : i32
        %dma_wait3A_273 = tpu.memref_slice %arg8[%dma_wait3A_270, %dma_wait3A_271, %dma_wait3A_272] : memref<3x1x128xi32, #tpu.memory_space<vmem>> -> memref<1x1x128xi32, #tpu.memory_space<vmem>>
        %dma_wait3A_274 = tpu.memref_squeeze %dma_wait3A_273 : memref<1x1x128xi32, #tpu.memory_space<vmem>> -> memref<1x128xi32, #tpu.memory_space<vmem>>
        %dma_wait3A_275 = arith.constant 0 : i32
        %dma_wait3A_276 = tpu.memref_slice %arg4[%select_n3A_19, %dma_wait3A_275] : memref<2560x128xi32, #tpu.memory_space<hbm>> -> memref<1x128xi32, #tpu.memory_space<hbm>>
        %dma_wait3A_277 = arith.constant 0 : i32
        %dma_wait3A_278 = arith.constant 0 : i32
        %dma_wait3A_279 = tpu.memref_slice %arg8[%dma_wait3A_270, %dma_wait3A_277, %dma_wait3A_278] : memref<3x1x128xi32, #tpu.memory_space<vmem>> -> memref<1x1x128xi32, #tpu.memory_space<vmem>>
        %dma_wait3A_280 = tpu.memref_squeeze %dma_wait3A_279 : memref<1x1x128xi32, #tpu.memory_space<vmem>> -> memref<1x128xi32, #tpu.memory_space<vmem>>
        %dma_wait3A_281 = arith.constant 0 : i32
        %dma_wait3A_282 = tpu.memref_slice %arg4[%select_n3A_19, %dma_wait3A_281] : memref<2560x128xi32, #tpu.memory_space<hbm>> -> memref<1x128xi32, #tpu.memory_space<hbm>>
        tpu.wait_dma2 semaphore(%arg14 : memref<!tpu.dma_semaphore, #tpu.memory_space<semaphore_mem>>) src(%dma_wait3A_282 : memref<1x128xi32, #tpu.memory_space<hbm>>) dst(%dma_wait3A_280 : memref<1x128xi32, #tpu.memory_space<vmem>>)
        %dma_wait3A_283 = arith.constant 0 : i32
        %dma_wait3A_284 = arith.constant 0 : i32
        %dma_wait3A_285 = arith.constant 0 : i32
        %dma_wait3A_286 = tpu.memref_slice %arg9[%dma_wait3A_283, %dma_wait3A_284, %dma_wait3A_285] : memref<3x1x128xi32, #tpu.memory_space<vmem>> -> memref<1x1x128xi32, #tpu.memory_space<vmem>>
        %dma_wait3A_287 = tpu.memref_squeeze %dma_wait3A_286 : memref<1x1x128xi32, #tpu.memory_space<vmem>> -> memref<1x128xi32, #tpu.memory_space<vmem>>
        %dma_wait3A_288 = arith.constant 0 : i32
        %dma_wait3A_289 = tpu.memref_slice %arg5[%select_n3A_19, %dma_wait3A_288] : memref<2560x128xi32, #tpu.memory_space<hbm>> -> memref<1x128xi32, #tpu.memory_space<hbm>>
        %dma_wait3A_290 = arith.constant 0 : i32
        %dma_wait3A_291 = arith.constant 0 : i32
        %dma_wait3A_292 = tpu.memref_slice %arg9[%dma_wait3A_283, %dma_wait3A_290, %dma_wait3A_291] : memref<3x1x128xi32, #tpu.memory_space<vmem>> -> memref<1x1x128xi32, #tpu.memory_space<vmem>>
        %dma_wait3A_293 = tpu.memref_squeeze %dma_wait3A_292 : memref<1x1x128xi32, #tpu.memory_space<vmem>> -> memref<1x128xi32, #tpu.memory_space<vmem>>
        %dma_wait3A_294 = arith.constant 0 : i32
        %dma_wait3A_295 = tpu.memref_slice %arg5[%select_n3A_19, %dma_wait3A_294] : memref<2560x128xi32, #tpu.memory_space<hbm>> -> memref<1x128xi32, #tpu.memory_space<hbm>>
        tpu.wait_dma2 semaphore(%arg14 : memref<!tpu.dma_semaphore, #tpu.memory_space<semaphore_mem>>) src(%dma_wait3A_295 : memref<1x128xi32, #tpu.memory_space<hbm>>) dst(%dma_wait3A_293 : memref<1x128xi32, #tpu.memory_space<vmem>>)
        %ge3A = arith.constant 1 : i32
        %ge3A_296 = arith.cmpi sge, %add3A_213, %ge3A : i32
        %convert_element_type3A_297 = arith.extui %ge3A_296 : i1 to i32
        %cond3A_298 = arith.constant 0 : i32
        %cond3A_299 = arith.cmpi ne, %convert_element_type3A_297, %cond3A_298 : i32
        scf.if %cond3A_299 {
          %dma_wait3A_309 = arith.constant 0 : i32
          %dma_wait3A_310 = arith.constant 0 : i32
          %dma_wait3A_311 = arith.constant 0 : i32
          %dma_wait3A_312 = tpu.memref_slice %arg9[%dma_wait3A_309, %dma_wait3A_310, %dma_wait3A_311] : memref<3x1x128xi32, #tpu.memory_space<vmem>> -> memref<1x1x128xi32, #tpu.memory_space<vmem>>
          %dma_wait3A_313 = tpu.memref_squeeze %dma_wait3A_312 : memref<1x1x128xi32, #tpu.memory_space<vmem>> -> memref<128xi32, #tpu.memory_space<vmem>>
          %dma_wait3A_314 = arith.constant 0 : i32
          %dma_wait3A_315 = arith.constant 0 : i32
          %dma_wait3A_316 = tpu.memref_slice %arg13[%dma_wait3A_314, %dma_wait3A_315] : memref<10112x128xf32, #tpu.memory_space<vmem_shared>> -> memref<10112x128xf32, #tpu.memory_space<vmem_shared>>
          tpu.wait_indirect_dma semaphore(%arg19 : memref<!tpu.dma_semaphore, #tpu.memory_space<semaphore_mem>>) src(%arg11 : memref<128x128xf32, #tpu.memory_space<vmem>>) dst(%dma_wait3A_316 : memref<10112x128xf32, #tpu.memory_space<vmem_shared>>)
        } else {
        }
        %add3A_300 = arith.constant 1 : i32
        %add3A_301 = arith.addi %add3A_213, %add3A_300 : i32
        %dma_start3A_302 = arith.constant 0 : i32
        %dma_start3A_303 = arith.constant 0 : i32
        %dma_start3A_304 = tpu.memref_slice %arg8[%rem3A_219, %dma_start3A_302, %dma_start3A_303] : memref<3x1x128xi32, #tpu.memory_space<vmem>> -> memref<1x1x128xi32, #tpu.memory_space<vmem>>
        %dma_start3A_305 = tpu.memref_squeeze %dma_start3A_304 : memref<1x1x128xi32, #tpu.memory_space<vmem>> -> memref<128xi32, #tpu.memory_space<vmem>>
        %dma_start3A_306 = arith.constant 0 : i32
        %dma_start3A_307 = arith.constant 0 : i32
        %dma_start3A_308 = tpu.memref_slice %arg2[%dma_start3A_306, %dma_start3A_307] : memref<10000x128xf32, #tpu.memory_space<hbm>> -> memref<10000x128xf32, #tpu.memory_space<hbm>>
        tpu.enqueue_indirect_dma source(%dma_start3A_308 : memref<10000x128xf32, #tpu.memory_space<hbm>>) target(%arg11 : memref<128x128xf32, #tpu.memory_space<vmem>>) offsets(%dma_start3A_305 : memref<128xi32, #tpu.memory_space<vmem>>) semaphore(%arg17 : memref<!tpu.dma_semaphore, #tpu.memory_space<semaphore_mem>>)
      } else {
      }
      %add3A_255 = arith.constant 2 : i32
      %add3A_256 = arith.addi %add3A_213, %add3A_255 : i32
      %lt3A_257 = arith.cmpi slt, %add3A_256, %select_n3A : i32
      %convert_element_type3A_258 = arith.extui %lt3A_257 : i1 to i32
      %cond3A_259 = arith.constant 0 : i32
      %cond3A_260 = arith.cmpi ne, %convert_element_type3A_258, %cond3A_259 : i32
      scf.if %cond3A_260 {
        %add3A_261 = arith.constant 2 : i32
        %add3A_262 = arith.addi %add3A_213, %add3A_261 : i32
        %add3A_263 = arith.addi %select_n3A_19, %add3A_262 : i32
        %dma_start3A_264 = arith.constant 0 : i32
        %dma_start3A_265 = arith.constant 0 : i32
        %dma_start3A_266 = tpu.memref_slice %arg8[%rem3A_223, %dma_start3A_264, %dma_start3A_265] : memref<3x1x128xi32, #tpu.memory_space<vmem>> -> memref<1x1x128xi32, #tpu.memory_space<vmem>>
        %dma_start3A_267 = tpu.memref_squeeze %dma_start3A_266 : memref<1x1x128xi32, #tpu.memory_space<vmem>> -> memref<1x128xi32, #tpu.memory_space<vmem>>
        %dma_start3A_268 = arith.constant 0 : i32
        %dma_start3A_269 = tpu.memref_slice %arg4[%add3A_263, %dma_start3A_268] : memref<2560x128xi32, #tpu.memory_space<hbm>> -> memref<1x128xi32, #tpu.memory_space<hbm>>
        %dma_start3A_270 = arith.constant 0 : i32
        %dma_start3A_271 = arith.constant 0 : i32
        %dma_start3A_272 = tpu.memref_slice %arg8[%rem3A_223, %dma_start3A_270, %dma_start3A_271] : memref<3x1x128xi32, #tpu.memory_space<vmem>> -> memref<1x1x128xi32, #tpu.memory_space<vmem>>
        %dma_start3A_273 = tpu.memref_squeeze %dma_start3A_272 : memref<1x1x128xi32, #tpu.memory_space<vmem>> -> memref<1x128xi32, #tpu.memory_space<vmem>>
        %dma_start3A_274 = arith.constant 0 : i32
        %dma_start3A_275 = tpu.memref_slice %arg4[%add3A_263, %dma_start3A_274] : memref<2560x128xi32, #tpu.memory_space<hbm>> -> memref<1x128xi32, #tpu.memory_space<hbm>>
        tpu.enqueue_dma source(%dma_start3A_275 : memref<1x128xi32, #tpu.memory_space<hbm>>) target(%dma_start3A_273 : memref<1x128xi32, #tpu.memory_space<vmem>>) target_semaphore(%arg15 : memref<!tpu.dma_semaphore, #tpu.memory_space<semaphore_mem>>)
        %add3A_276 = arith.addi %select_n3A_19, %add3A_262 : i32
        %dma_start3A_277 = arith.constant 0 : i32
        %dma_start3A_278 = arith.constant 0 : i32
        %dma_start3A_279 = tpu.memref_slice %arg9[%rem3A_223, %dma_start3A_277, %dma_start3A_278] : memref<3x1x128xi32, #tpu.memory_space<vmem>> -> memref<1x1x128xi32, #tpu.memory_space<vmem>>
        %dma_start3A_280 = tpu.memref_squeeze %dma_start3A_279 : memref<1x1x128xi32, #tpu.memory_space<vmem>> -> memref<1x128xi32, #tpu.memory_space<vmem>>
        %dma_start3A_281 = arith.constant 0 : i32
        %dma_start3A_282 = tpu.memref_slice %arg5[%add3A_276, %dma_start3A_281] : memref<2560x128xi32, #tpu.memory_space<hbm>> -> memref<1x128xi32, #tpu.memory_space<hbm>>
        %dma_start3A_283 = arith.constant 0 : i32
        %dma_start3A_284 = arith.constant 0 : i32
        %dma_start3A_285 = tpu.memref_slice %arg9[%rem3A_223, %dma_start3A_283, %dma_start3A_284] : memref<3x1x128xi32, #tpu.memory_space<vmem>> -> memref<1x1x128xi32, #tpu.memory_space<vmem>>
        %dma_start3A_286 = tpu.memref_squeeze %dma_start3A_285 : memref<1x1x128xi32, #tpu.memory_space<vmem>> -> memref<1x128xi32, #tpu.memory_space<vmem>>
        %dma_start3A_287 = arith.constant 0 : i32
        %dma_start3A_288 = tpu.memref_slice %arg5[%add3A_276, %dma_start3A_287] : memref<2560x128xi32, #tpu.memory_space<hbm>> -> memref<1x128xi32, #tpu.memory_space<hbm>>
        tpu.enqueue_dma source(%dma_start3A_288 : memref<1x128xi32, #tpu.memory_space<hbm>>) target(%dma_start3A_286 : memref<1x128xi32, #tpu.memory_space<vmem>>) target_semaphore(%arg15 : memref<!tpu.dma_semaphore, #tpu.memory_space<semaphore_mem>>)
      } else {
      }
    }
    %dma_wait3A_145 = arith.constant 0 : i32
    %dma_wait3A_146 = arith.constant 0 : i32
    %dma_wait3A_147 = arith.constant 0 : i32
    %dma_wait3A_148 = tpu.memref_slice %arg9[%dma_wait3A_145, %dma_wait3A_146, %dma_wait3A_147] : memref<3x1x128xi32, #tpu.memory_space<vmem>> -> memref<1x1x128xi32, #tpu.memory_space<vmem>>
    %dma_wait3A_149 = tpu.memref_squeeze %dma_wait3A_148 : memref<1x1x128xi32, #tpu.memory_space<vmem>> -> memref<128xi32, #tpu.memory_space<vmem>>
    %dma_wait3A_150 = arith.constant 0 : i32
    %dma_wait3A_151 = arith.constant 0 : i32
    %dma_wait3A_152 = tpu.memref_slice %arg13[%dma_wait3A_150, %dma_wait3A_151] : memref<10112x128xf32, #tpu.memory_space<vmem_shared>> -> memref<10112x128xf32, #tpu.memory_space<vmem_shared>>
    tpu.wait_indirect_dma semaphore(%arg19 : memref<!tpu.dma_semaphore, #tpu.memory_space<semaphore_mem>>) src(%arg11 : memref<128x128xf32, #tpu.memory_space<vmem>>) dst(%dma_wait3A_152 : memref<10112x128xf32, #tpu.memory_space<vmem_shared>>)
    %dma_wait3A_153 = arith.constant 0 : i32
    %dma_wait3A_154 = arith.constant 0 : i32
    %dma_wait3A_155 = arith.constant 0 : i32
    %dma_wait3A_156 = tpu.memref_slice %arg9[%dma_wait3A_153, %dma_wait3A_154, %dma_wait3A_155] : memref<3x1x128xi32, #tpu.memory_space<vmem>> -> memref<1x1x128xi32, #tpu.memory_space<vmem>>
    %dma_wait3A_157 = tpu.memref_squeeze %dma_wait3A_156 : memref<1x1x128xi32, #tpu.memory_space<vmem>> -> memref<128xi32, #tpu.memory_space<vmem>>
    %dma_wait3A_158 = arith.constant 0 : i32
    %dma_wait3A_159 = arith.constant 0 : i32
    %dma_wait3A_160 = tpu.memref_slice %arg13[%dma_wait3A_158, %dma_wait3A_159] : memref<10112x128xf32, #tpu.memory_space<vmem_shared>> -> memref<10112x128xf32, #tpu.memory_space<vmem_shared>>
    tpu.wait_indirect_dma semaphore(%arg20 : memref<!tpu.dma_semaphore, #tpu.memory_space<semaphore_mem>>) src(%arg12 : memref<128x128xf32, #tpu.memory_space<vmem>>) dst(%dma_wait3A_160 : memref<10112x128xf32, #tpu.memory_space<vmem_shared>>)
    %barrier3A_161 = arith.constant 0 : index
    tpu.barrier barrier_id(%barrier3A_161)
    "tpu.region"() ({
      %run_scoped3A = tpu.sem_alloc : memref<!tpu.dma_semaphore, #tpu.memory_space<semaphore_mem>>
      %dma_start3A_162 = arith.constant 0 : i32
      %dma_start3A_163 = tpu.memref_slice %arg7[%arg0, %mul3A_0, %dma_start3A_162] : memref<2x10112x128xf32, #tpu.memory_space<hbm>> -> memref<1x632x128xf32, #tpu.memory_space<hbm>>
      %dma_start3A_164 = tpu.memref_squeeze %dma_start3A_163 : memref<1x632x128xf32, #tpu.memory_space<hbm>> -> memref<632x128xf32, #tpu.memory_space<hbm>>
      %dma_start3A_165 = arith.constant 0 : i32
      %dma_start3A_166 = tpu.memref_slice %arg13[%mul3A_0, %dma_start3A_165] : memref<10112x128xf32, #tpu.memory_space<vmem_shared>> -> memref<632x128xf32, #tpu.memory_space<vmem_shared>>
      tpu.enqueue_dma source(%dma_start3A_166 : memref<632x128xf32, #tpu.memory_space<vmem_shared>>) target(%dma_start3A_164 : memref<632x128xf32, #tpu.memory_space<hbm>>) target_semaphore(%run_scoped3A : memref<!tpu.dma_semaphore, #tpu.memory_space<semaphore_mem>>)
      %dma_wait3A_167 = arith.constant 0 : i32
      %dma_wait3A_168 = tpu.memref_slice %arg7[%arg0, %mul3A_0, %dma_wait3A_167] : memref<2x10112x128xf32, #tpu.memory_space<hbm>> -> memref<1x632x128xf32, #tpu.memory_space<hbm>>
      %dma_wait3A_169 = tpu.memref_squeeze %dma_wait3A_168 : memref<1x632x128xf32, #tpu.memory_space<hbm>> -> memref<632x128xf32, #tpu.memory_space<hbm>>
      %dma_wait3A_170 = arith.constant 0 : i32
      %dma_wait3A_171 = tpu.memref_slice %arg13[%mul3A_0, %dma_wait3A_170] : memref<10112x128xf32, #tpu.memory_space<vmem_shared>> -> memref<632x128xf32, #tpu.memory_space<vmem_shared>>
      tpu.wait_dma2 semaphore(%run_scoped3A : memref<!tpu.dma_semaphore, #tpu.memory_space<semaphore_mem>>) src(%dma_wait3A_171 : memref<632x128xf32, #tpu.memory_space<vmem_shared>>) dst(%dma_wait3A_169 : memref<632x128xf32, #tpu.memory_space<hbm>>)
      tpu.yield
    }) : () -> ()
    return
  }
}

</mosaic_0001>

<sc_bundles>
// kernel: _edge_sc.3.cloned.1.call-start
scs
__scs_entry_jumppad:
0x0: {  	(pc) =	sbr.rel $0x88, $3  }
0x1: {  	(tag) =	ssettag $0x0;
	lr =	simm.s32 $0x1  }
0x2: {  	[smem:$0x3F9C] =	sst lr;
	_ =	strace $0xD0000000  }
0x3: {  	_ = 	snop  }
0x4: {  	_ = 	snop  }
0x5: {  	_ = 	snop  }
0x6: {  	_ = 	snop  }
0x7: {  	_ = 	snop  }
__scs_overlays_trampoline_lowered:
0x8: {  	[smem:$0x3FAB] =	sst s0  }
0x9: {  	[smem:$0x3FAC] =	sst s1  }
0xa: {  	[smem:$0x3FAD] =	sst s2  }
0xb: {  	[smem:$0x3FAE] =	sst s3  }
0xc: {  	[smem:$0x3FAF] =	sst s4  }
0xd: {  	[smem:$0x3FB0] =	sst s5  }
0xe: {  	[smem:$0x3FB1] =	sst s6  }
0xf: {  	[smem:$0x3FB2] =	sst s7  }
0x10: {  	[smem:$0x3FB3] =	sst s8  }
0x11: {  	[smem:$0x3FB4] =	sst s9;
	s0 =	simm.s32 @!p0 $0x0  }
0x12: {  	s1 =	sld [smem:$0x3F9A];
	s0 =	simm.s32 @p0 $0x1  }
0x13: {  	[smem:$0x3FB5] =	sst s0;
	s0 =	simm.s32 @!p1 $0x0  }
0x14: {  	s2 =	sld [smem:$0x3F99];
	s0 =	simm.s32 @p1 $0x1  }
0x15: {  	[smem:$0x3FB6] =	sst s0;
	s0 =	simm.s32 @!p2 $0x0  }
0x16: {  	s3 =	sld [smem:$0x3FDB];
	s0 =	simm.s32 @p2 $0x1  }
0x17: {  	s4 =	simm.s32 $0x1BF5;
	[smem:$0x3FB8] =	sst s0  }
0x18: {  	s0 =	sld [smem:$0x3F9B];
	_ =	swait.ge [sflag:s4], $0x0  }
0x19: {  	s7 =	sld [smem:$0x3F9C]  }
0x1a: {  	s8 =	sadd.s32 $0xFFFFE003, lr  }
0x1b: {  	s9 =	sadd.s32 $0xFFFFFEF7, lr;
	s5 =	simm.s32 $0xFFFFFFFF;
	p2 =	slt.u32 s8, $0xFFFFF086  }
0x1c: {  	p1 =	slt.u32 s9, $0xF7A;
	s5 =	simm.s32 @!p2 $0x0  }
0x1d: {  	s5 =	simm.s32 @p1 $0x1;
	p0 =	seq.s32 s7, s2  }
0x1e: {  	s7 =	smul.u32 @!p0 $0xF7A, s2;
	p2 =	seq.s32 @!p0 s5, $0x0  }
0x1f: {  	s9 =	smul.u32 $0xF7A, s1;
	s8 =	simm.s32 @!p0 $0x1BF5;
	p2 =	por !p2, p0  }
0x20: {  	[sflag:s8] =	ssyncset.s32 @!p0 $0xFFFFF086;
	s6 =	sadd.s32 @!p0 s3, s7;
	s7 =	simm.s32 @!p0 $0x108  }
0x21: {  	s3 =	sadd.s32 s3, s9;
	s6 =	sadd.s32 @!p0 $0x88, s6;
	s7 =	simm.s32 @p2 $0x1082  }
0x22: {  	[simem:s7], [sflag:s8] =	dma.local @!p0 [hbm:s6], $0xF7A  }
0x23: {  	s9 =	sor.u32 $0xD0000000, s2;
	s6 =	simm.s32 $0x108;
	_ =	swait.ge @!p0 [sflag:s8], $0x0  }
0x24: {  	s3 =	sadd.s32 $0x88, s3;
	s6 =	simm.s32 @!p1 $0x1082;
	[sflag:s4] =	ssyncset.s32 $0xFFFFF086  }
0x25: {  	[simem:s6], [sflag:s4] =	dma.local [hbm:s3], $0xF7A  }
0x26: {  	[smem:$0x3F9C] =	sst s1;
	(tag) =	ssettag s2;
	_ =	strace s9  }
0x27: {  	s1 =	sld [smem:$0x3FAC]  }
0x28: {  	s2 =	sld [smem:$0x3FAD]  }
0x29: {  	s4 =	sld [smem:$0x3FAF]  }
0x2a: {  	p0 =	seq.s32 s5, $0x0;
	s5 =	sld [smem:$0x3FB0]  }
0x2b: {  	s6 =	sld [smem:$0x3FB1]  }
0x2c: {  	s7 =	sld [smem:$0x3FB2]  }
0x2d: {  	s3 =	simm.s32 $0x108;
	s8 =	sld [smem:$0x3FB3]  }
0x2e: {  	s3 =	simm.s32 @!p0 $0x1082;
	s9 =	sld [smem:$0x3FB4]  }
0x2f: {  	lr =	sadd.s32 s0, s3;
	s0 =	sld [smem:$0x3FAB]  }
0x30: {  	s3 =	sld [smem:$0x3FAE]  }
0x31: {  	[smem:$0x3FB7] =	sst s10  }
0x32: {  	s10 =	sld [smem:$0x3FB5];
	_ =	sdelay $0x3  }
0x33: {  	p0 =	seq.s32 s10, $0x1;
	s10 =	sld [smem:$0x3FB7];
	_ =	sdelay $0x3  }
0x34: {  	[smem:$0x3FB7] =	sst s10  }
0x35: {  	s10 =	sld [smem:$0x3FB6];
	_ =	sdelay $0x3  }
0x36: {  	p1 =	seq.s32 s10, $0x1;
	s10 =	sld [smem:$0x3FB7];
	_ =	sdelay $0x3  }
0x37: {  	[smem:$0x3FB7] =	sst s10  }
0x38: {  	s10 =	sld [smem:$0x3FB8]  }
0x39: {  	_ = 	snop;
	(pc) =	sbr.ind lr, $3  }
0x3a: {  	_ = 	snop  }
0x3b: {  	_ = 	snop  }
0x3c: {  	p2 =	seq.s32 s10, $0x1;
	s10 =	sld [smem:$0x3FB7]  }
0x3d: {  	_ =	shalt  }
0x3e: {  	_ =	shalt  }
0x3f: {  	_ =	shalt  }
0x40: {  	_ =	shalt  }
0x41: {  	_ =	shalt  }
0x42: {  	_ =	shalt  }
0x43: {  	_ =	shalt  }
0x44: {  	_ =	shalt  }
0x45: {  	_ =	shalt  }
0x46: {  	_ =	shalt  }
0x47: {  	_ =	shalt  }
0x48: {  	_ =	shalt  }
0x49: {  	_ =	shalt  }
0x4a: {  	_ =	shalt  }
0x4b: {  	_ =	shalt  }
0x4c: {  	_ =	shalt  }
0x4d: {  	_ =	shalt  }
0x4e: {  	_ =	shalt  }
0x4f: {  	_ =	shalt  }
0x50: {  	_ =	shalt  }
0x51: {  	_ =	shalt  }
0x52: {  	_ =	shalt  }
0x53: {  	_ =	shalt  }
0x54: {  	_ =	shalt  }
0x55: {  	_ =	shalt  }
0x56: {  	_ =	shalt  }
0x57: {  	_ =	shalt  }
0x58: {  	_ =	shalt  }
0x59: {  	_ =	shalt  }
0x5a: {  	_ =	shalt  }
0x5b: {  	_ =	shalt  }
0x5c: {  	_ =	shalt  }
0x5d: {  	_ =	shalt  }
0x5e: {  	_ =	shalt  }
0x5f: {  	_ =	shalt  }
0x60: {  	_ =	shalt  }
0x61: {  	_ =	shalt  }
0x62: {  	_ =	shalt  }
0x63: {  	_ =	shalt  }
0x64: {  	_ =	shalt  }
0x65: {  	_ =	shalt  }
0x66: {  	_ =	shalt  }
0x67: {  	_ =	shalt  }
0x68: {  	_ =	shalt  }
0x69: {  	_ =	shalt  }
0x6a: {  	_ =	shalt  }
0x6b: {  	_ =	shalt  }
0x6c: {  	_ =	shalt  }
0x6d: {  	_ =	shalt  }
0x6e: {  	_ =	shalt  }
0x6f: {  	_ =	shalt  }
0x70: {  	_ =	shalt  }
0x71: {  	_ =	shalt  }
0x72: {  	_ =	shalt  }
0x73: {  	_ =	shalt  }
0x74: {  	_ =	shalt  }
0x75: {  	_ =	shalt  }
0x76: {  	_ =	shalt  }
0x77: {  	_ =	shalt  }
0x78: {  	_ =	shalt  }
0x79: {  	_ =	shalt  }
0x7a: {  	_ =	shalt  }
0x7b: {  	_ =	shalt  }
0x7c: {  	_ =	shalt  }
0x7d: {  	_ =	shalt  }
0x7e: {  	_ =	shalt  }
0x7f: {  	_ =	shalt  }
0x80: {  	_ =	shalt  }
0x81: {  	_ =	shalt  }
0x82: {  	_ =	shalt  }
0x83: {  	_ =	shalt  }
0x84: {  	_ =	shalt  }
0x85: {  	_ =	shalt  }
0x86: {  	_ =	shalt  }
0x87: {  	_ =	shalt  }
.Lfunc_end0:
.L_simem_size_0:
called_computation_lowered:
.L_overlay_start_0:
0x88: {  	s2 =	sld [smem:$0x3FD9]  }
0x89: {  	s3 =	sld [smem:$0x3FFE];
	_ =	sdelay $0x1  }
0x8a: {  	s1 =	srdreg.scid  }
0x8b: {  	s0 =	sand.u32 $0x1, s1  }
0x8c: {  	s18 =	sshll.u32 s0, $0xA;
	s2 =	sadd.s32 s3, s2  }
0x8d: {  	s2 =	sadd.s32 s2, s18  }
0x8e: {  	[smem:$0x3FC3] =	sst s2  }
0x8f: {  	_ = 	snop  }
0x90: {  	s2 =	sld [smem:$0x3FC9]  }
0x91: {  	s19 =	sld [smem:$0x3FC8]  }
0x92: {  	s4 =	sld [smem:$0x3FC7]  }
0x93: {  	s5 =	sld [smem:$0x3FC6]  }
0x94: {  	s6 =	sld [smem:$0x3FC5]  }
0x95: {  	s7 =	sld [smem:$0x3FD0];
	(tm) =	ssettm $0x1  }
0x96: {  	s8 =	sld [smem:$0x3FFB];
	_ =	sdelay $0x3  }
0x97: {  	_ =	strace s8  }
0x98: {  	s8 =	sld [smem:$0x3FFC];
	_ =	sdelay $0x3  }
0x99: {  	_ =	strace s8  }
0x9a: {  	s8 =	sld [smem:$0x3FFD];
	_ =	sdelay $0x3  }
0x9b: {  	_ =	strace s8  }
0x9c: {  	_ =	strace $0x8FFFFFFF  }
0x9d: {  	s20 =	sld [smem:$0x3FDB];
	_ =	sdelay $0x1  }
0x9e: {  	s9 =	simm.s32 $_scs_section_size  }
0x9f: {  	s10 =	simm.s32 $_size__tile_overlayer_lowered;
	s11 =	simm.s32 $_tile_overlayer_lowered  }
0xa0: {  	s23 =	simm.s32 $0x1BFF;
	s22 =	sshll.u32 s11, $0x1;
	s8 =	sadd.s32 s9, s20  }
0xa1: {  	s12 =	simm.s32 $0x0;
	s21 =	sshll.u32 s10, $0x1;
	s10 =	sadd.s32 s22, s8  }
0xa2: {  	[timem:s12], [sflag:s23] =	dma.local [hbm:s10], s21  }
0xa3: {  	_ =	swait.ge [sflag:s23], s21  }
0xa4: {  	s9 =	ssub.s32 $0x0, s21;
	[sflag:s23] =	ssyncset.done $0x0  }
0xa5: {  	[sflag:s23] =	ssyncadd.s32 s9;
	_ =	sdelay $0x1  }
0xa6: {  	s24 =	simm.s32 $0x1B8B  }
0xa7: {  	_ =	swait.ge [sflag:s24], $0x1  }
0xa8: {  	[sflag:s24] =	ssyncset.done $0x0  }
0xa9: {  	s25 =	simm.s32 $0x1B8E;
	[sflag:s24] =	ssyncadd.s32 $0xFFFFFFFF  }
0xaa: {  	s26 =	simm.s32 $execute0_lowered;
	[smem:$0x3FD2] =	sst s25  }
0xab: {  	s9 =	sshll.u32 s26, $0x1;
	_ =	strace $0x80000046;
	[dreg:$0x1] =	wrdreg $0xFFFFFFFF  }
0xac: {  	s28 =	simm.s32 $_size_execute0_lowered;
	s8 =	sadd.s32 s8, s9;
	[dreg:$0x0] =	wrdreg $0x0  }
0xad: {  	s9 =	sshll.u32 s28, $0x1;
	[dreg:$0x2] =	wrdreg s8  }
0xae: {  	[dreg:$0x3] =	wrdreg s9  }
0xaf: {  	[dreg:$0x4] =	wrdreg $0xC0  }
0xb0: {  	_ =	task [dreg:s12], $0x5FFFF  }
0xb1: {  	[dreg:$0x1] =	wrdreg $0xFFFFFFFF  }
0xb2: {  	[dreg:$0x0] =	wrdreg $0x60  }
0xb3: {  	[dreg:$0x2] =	wrdreg s2  }
0xb4: {  	[dreg:$0x3] =	wrdreg s19  }
0xb5: {  	[dreg:$0x4] =	wrdreg s4  }
0xb6: {  	[dreg:$0x5] =	wrdreg s5  }
0xb7: {  	[dreg:$0x6] =	wrdreg s6  }
0xb8: {  	[dreg:$0x7] =	wrdreg s7  }
0xb9: {  	[dreg:$0x8] =	wrdreg $0xC3000  }
0xba: {  	[dreg:$0x9] =	wrdreg $0x9  }
0xbb: {  	_ =	task.clear_ibuf [dreg:s12], $0xAFFFF;
	_ =	strace $0x90000046  }
0xbc: {  	s29 =	simm.s32 $0x9;
	_ =	strace $0x80000048  }
0xbd: {  	_ =	swait.ge [sflag:s29], $0x1  }
0xbe: {  	[sflag:s29] =	ssyncadd.s32 $0xFFFFFFFF  }
0xbf: {  	_ =	strace $0x90000048  }
0xc0: {  	_ =	sfence  }
0xc1: {  	s30 =	sld [smem:$0x0];
	_ =	sdelay $0x2  }
0xc2: {  	s31 =	sshll.u32 s1, $0xD;
	s1 =	sshrl.u32 s1, $0x2  }
0xc3: {  	s3 =	sand.u32 $0x4000, s31;
	s1 =	sadd.s32 s1, s30  }
0xc4: {  	s0 =	sor.u32 s3, s0;
	s1 =	sshll.u32 s1, $0x11  }
0xc5: {  	s0 =	sor.u32 s1, s0  }
0xc6: {  	s0 =	sadd.s32 $0x8F2B, s0  }
0xc7: {  	[sflag:s0] =	ssyncadd.remote.s32 $0x1  }
0xc8: {  	_ =	sfence.sel $0xFFFF  }
0xc9: {  	[dreg:$0x0] =	wrdreg $0xFFFFFFFF;
	(pc) =	sbr.abs _section_cstart, $3  }
0xca: {  	[dreg:$0x1] =	wrdreg $0xFFFFFFFF  }
0xcb: {  	_ =	task.clear_ibuf [dreg:s12], $0x2FFFF;
	_ =	strace $0x9FFFFFFF  }
0xcc: {  	(tm) =	ssettm $0x7FFFFFFF  }
0xcd: {  	_ =	shalt  }
tec
execute0_lowered:
.L_overlay_start_1:
0x0: {  	(tag) =	ssettag $0x1  }
0x1: {  	s0 =	rddreg [dreg:$0x0]  }
0x2: {  	s2 =	rddreg [dreg:$0x1]  }
0x3: {  	s3 =	rddreg [dreg:$0x2]  }
0x4: {  	s4 =	rddreg [dreg:$0x3]  }
0x5: {  	s1 =	rddreg [dreg:$0x4]  }
0x6: {  	s5 =	rddreg [dreg:$0x5]  }
0x7: {  	s6 =	rddreg [dreg:$0x6]  }
0x8: {  	s8 =	srdreg.scid;
	s16 =	stileid.u32;
	s7 =	simm.s32 $0x0  }
0x9: {  	s28 =	simm.s32 $0x1;
	s29 =	simm.s32 $0x4300;
	s30 =	simm.s32 $0x4  }
0xa: {  	s31 =	simm.s32 $0x3;
	s8 =	sand.u32 $0x1, s8;
	s9 =	smul.u32 $0x4F000, s16  }
0xb: {  	[smem:$0x7FF] =	sst s7;
	s12 =	smul.u32 $0x13C00, s16;
	s17 =	sshll.u32 s16, $0x6  }
0xc: {  	s18 =	smul.u32 $0x28, s16;
	s10 =	ssub.s32 $0x2, s8;
	_ =	strace $0x80000047  }
0xd: {  	p0 =	seq.s32 s8, $0x0;
	s8 =	smul.u32 $0x13C000, s8;
	s11 =	sshrl.u32 s10, $0x1  }
0xe: {  	s9 =	sshrl.u32 s9, $0x2;
	s15 =	sshrl.u32 s12, $0x3;
	s13 =	ssub.s32 s10, s11  }
0xf: {  	s14 =	sadd.s32 s9, s6;
	s1 =	sadd.s32 s1, s15;
	s9 =	sor.u32 $0x1C08, s17  }
0x10: {  	s15 =	smul.u32 $0x1400, s16;
	s10 =	sadd.s32 $0x780, s18;
	s11 =	simm.s32 $0x78  }
0x11: {  	s8 =	sadd.s32 s12, s8;
	[dreg:$0x8] =	wrdreg s1;
	s1 =	smul.u32 $0x78, s16  }
0x12: {  	s16 =	smul.u32 $0x3C00, s16;
	s8 =	sshrl.u32 s8, $0x3;
	s26 =	smax.u32 s13, $0x1  }
0x13: {  	s11 =	simm.s32 @!p0 $0x28;
	s25 =	sadd.s32 s5, s8;
	[dreg:$0xf] =	wrdreg s26  }
0x14: {  	s5 =	simm.s32 $0x8300;
	s26 =	simm.s32 $0x0;
	s10 =	smov.u32 @p0 s1  }
0x15: {  	s1 =	sadd.s32 $0x3C000, s15;
	[dreg:$0xe] =	wrdreg s25;
	s19 =	sshll.u32 s10, $0x4  }
0x16: {  	s25 =	simm.s32 $0x7;
	s1 =	smov.u32 @p0 s16;
	s17 =	sadd.s32 s3, s19  }
0x17: {  	s20 =	sor.u32 $0x10, s19;
	s15 =	sadd.s32 s4, s19;
	[dreg:$0x9] =	wrdreg s17  }
0x18: {  	s23 =	sshll.u32 s1, $0x4;
	[dreg:$0xa] =	wrdreg s15;
	s21 =	sadd.s32 s3, s20  }
0x19: {  	s18 =	sshll.u32 s1, $0x7;
	s22 =	sadd.s32 s4, s20;
	[dreg:$0xb] =	wrdreg s21  }
0x1a: {  	s1 =	simm.s32 $0x5;
	s24 =	sadd.s32 s2, s23;
	[dreg:$0xc] =	wrdreg s22  }
0x1b: {  	s17 =	sshrl.u32 s11, $0x1;
	s23 =	simm.s32 $0x6;
	[dreg:$0xd] =	wrdreg s24  }
0x1c: {  	s21 =	sshrl.u32 s14, $0x3;
	s22 =	simm.s32 $0x8;
	s24 =	simm.s32 $0x80  }
.LBB2_1:
0x1d: {  	s8 =	rddreg [dreg:$0x8]  }
0x1e: {  	[spmem:s21], [sflag:s9] =	dma.local [hbm:s8], $0x2780  }
0x1f: {  	_ =	swait.ge [sflag:s22], $0x2780  }
0x20: {  	[sflag:s22] =	ssyncset.done $0x0  }
0x21: {  	s12 =	rddreg [dreg:$0x9];
	[sflag:s22] =	ssyncadd.s32 $0xFFFFD880  }
0x22: {  	[tilespmem:s7], [sflag:$0x1] =	stream.linear.gather [hbm4b:s12+s7], $0x80, $0x38;
	[tilespmem:$0x1FF00] =	vst v63  }
0x23: {  	s13 =	rddreg [dreg:$0xa];
	s12 =	simm.s32 $0x180  }
0x24: {  	[tilespmem:s12], [sflag:$0x1] =	stream.linear.gather [hbm4b:s13+s7], $0x80, $0x38;
	[tilespmem:$0x1FF00] =	vst v63  }
0x25: {  	s14 =	rddreg [dreg:$0xb]  }
0x26: {  	[tilespmem:s24], [sflag:$0x2] =	stream.linear.gather [hbm4b:s14+s7], $0x80, $0x38;
	[tilespmem:$0x1FF00] =	vst v63  }
0x27: {  	s16 =	simm.s32 $0x200;
	s15 =	rddreg [dreg:$0xc]  }
0x28: {  	[tilespmem:s16], [sflag:$0x2] =	stream.linear.gather [hbm4b:s15+s7], $0x80, $0x38;
	[tilespmem:$0x1FF00] =	vst v63  }
0x29: {  	s20 =	simm.s32 $0x300;
	s19 =	rddreg [dreg:$0xd]  }
0x2a: {  	[tilespmem:s20], [sflag:$0x3] =	stream.linear.gather [hbm4b:s19+s7], $0x4000, $0x38;
	[tilespmem:$0x1FF00] =	vst v63  }
0x2b: {  	[bflag:$0x0] =	sbarrier.arrive $0xFFFF  }
0x2c: {  	_ =	swait.ge [sflag:s28], $0x80  }
0x2d: {  	[sflag:s28] =	ssyncset.done $0x0  }
0x2e: {  	[sflag:s28] =	ssyncadd.s32 $0xFFFFFF80  }
0x2f: {  	_ =	swait.ge [sflag:s28], $0x80  }
0x30: {  	[sflag:s28] =	ssyncset.done $0x0  }
0x31: {  	s8 =	simm.s32 $0x0;
	[sflag:s28] =	ssyncadd.s32 $0xFFFFFF80  }
0x32: {  	[tilespmem:s29], [sflag:$0x4] =	stream.indirect.gather [hbm4b:s0+s24], $0x80, s7, s24, $0xb8;
	[tilespmem:$0x1FF00] =	vst v63  }
.LBB2_2:
0x33: {  	_ =	swait.ge [sflag:s30], $0x4000  }
0x34: {  	[sflag:s30] =	ssyncset.done $0x0  }
0x35: {  	[sflag:s30] =	ssyncadd.s32 $0xFFFFC000  }
0x36: {  	_ =	swait.ge [sflag:s31], $0x4000  }
0x37: {  	[sflag:s31] =	ssyncset.done $0x0  }
0x38: {  	s13 =	simm.s32 $0x0;
	[sflag:s31] =	ssyncadd.s32 $0xFFFFC000  }
0x39: {  	v6 =	vld [tilespmem:s13+$0x300]  }
0x3a: {  	v11 =	vld [tilespmem:s13+$0x310]  }
0x3b: {  	v5 =	vld [tilespmem:s13+$0x320]  }
0x3c: {  	v4 =	vld [tilespmem:s13+$0x330]  }
0x3d: {  	v3 =	vld [tilespmem:s13+$0x340]  }
0x3e: {  	v2 =	vld [tilespmem:s13+$0x350]  }
0x3f: {  	v1 =	vld [tilespmem:s13+$0x360]  }
0x40: {  	v0 =	vld [tilespmem:s13+$0x370]  }
0x41: {  	v12 =	vld [tilespmem:s13+$0x4300]  }
0x42: {  	v13 =	vld [tilespmem:s13+$0x4310]  }
0x43: {  	v10 =	vld [tilespmem:s13+$0x4320]  }
0x44: {  	v9 =	vld [tilespmem:s13+$0x4330]  }
0x45: {  	v8 =	vld [tilespmem:s13+$0x4340]  }
0x46: {  	v7 =	vld [tilespmem:s13+$0x4350];
	v12 =	vadd.f32 v6, v12  }
0x47: {  	s12 =	simm.s32 $0x200;
	v11 =	vadd.f32 v11, v13;
	v6 =	vld [tilespmem:s13+$0x4360]  }
.LBB2_3:
0x48: {  	s14 =	sshra.s32 s12, $0x2;
	p0 =	sne.s32 s12, $0xFE00;
	v12 =	vmax.f32 v12, $0.0e+00;
	v5 =	vadd.f32 v5, v10;
	v10 =	vld [tilespmem:s13+$0x4370]  }
0x49: {  	v13 =	vld [tilespmem:s14+$0x300];
	[tilespmem:s13+$0x4300] =	vst v12;
	v11 =	vmax.f32 v11, $0.0e+00;
	v4 =	vadd.f32 v4, v9  }
0x4a: {  	v14 =	vld [tilespmem:s14+$0x310];
	[tilespmem:s13+$0x4310] =	vst v11;
	v9 =	vmax.f32 v5, $0.0e+00;
	v3 =	vadd.f32 v3, v8  }
0x4b: {  	v5 =	vld [tilespmem:s14+$0x320];
	[tilespmem:s13+$0x4320] =	vst v9;
	v8 =	vmax.f32 v4, $0.0e+00;
	v2 =	vadd.f32 v2, v7  }
0x4c: {  	v4 =	vld [tilespmem:s14+$0x330];
	[tilespmem:s13+$0x4330] =	vst v8;
	v7 =	vmax.f32 v3, $0.0e+00;
	v1 =	vadd.f32 v1, v6  }
0x4d: {  	v3 =	vld [tilespmem:s14+$0x340];
	[tilespmem:s13+$0x4340] =	vst v7;
	v6 =	vmax.f32 v2, $0.0e+00;
	v0 =	vadd.f32 v0, v10  }
0x4e: {  	v2 =	vld [tilespmem:s14+$0x350];
	[tilespmem:s13+$0x4350] =	vst v6;
	v6 =	vmax.f32 v1, $0.0e+00  }
0x4f: {  	v1 =	vld [tilespmem:s14+$0x360];
	[tilespmem:s13+$0x4360] =	vst v6;
	v6 =	vmax.f32 v0, $0.0e+00  }
0x50: {  	v0 =	vld [tilespmem:s14+$0x370];
	[tilespmem:s13+$0x4370] =	vst v6;
	s13 =	smov.u32 s14  }
0x51: {  	v6 =	vld [tilespmem:s13+$0x4300]  }
0x52: {  	v11 =	vld [tilespmem:s13+$0x4310]  }
.Ltmp0:
0x53: {  	v10 =	vld [tilespmem:s13+$0x4320];
	(pc) =	sbr.rel @p0 .LBB2_3-.Ltmp0, $4  }
0x54: {  	v9 =	vld [tilespmem:s13+$0x4330]  }
0x55: {  	v8 =	vld [tilespmem:s13+$0x4340]  }
0x56: {  	v12 =	vadd.f32 v13, v6;
	v7 =	vld [tilespmem:s13+$0x4350]  }
0x57: {  	s12 =	sadd.s32 $0x200, s12;
	v11 =	vadd.f32 v14, v11;
	v6 =	vld [tilespmem:s13+$0x4360]  }
0x58: {  	v12 =	vmax.f32 v12, $0.0e+00;
	v5 =	vadd.f32 v5, v10;
	v10 =	vld [tilespmem:s13+$0x4370];
	s12 =	sshll.u32 s8, $0x1  }
0x59: {  	[tilespmem:s13+$0x4300] =	vst v12;
	v11 =	vmax.f32 v11, $0.0e+00;
	v4 =	vadd.f32 v4, v9;
	s14 =	smulhi.u32 $0xAAAAAAAB, s12  }
0x5a: {  	[tilespmem:s13+$0x4310] =	vst v11;
	v5 =	vmax.f32 v5, $0.0e+00;
	v3 =	vadd.f32 v3, v8  }
0x5b: {  	[tilespmem:s13+$0x4320] =	vst v5;
	v4 =	vmax.f32 v4, $0.0e+00;
	v2 =	vadd.f32 v2, v7;
	s14 =	sshrl.u32 s14, $0x1  }
0x5c: {  	[tilespmem:s13+$0x4330] =	vst v4;
	v3 =	vmax.f32 v3, $0.0e+00;
	v1 =	vadd.f32 v1, v6;
	s14 =	smul.u32 $0x3, s14  }
0x5d: {  	[tilespmem:s13+$0x4340] =	vst v3;
	v2 =	vmax.f32 v2, $0.0e+00;
	v0 =	vadd.f32 v0, v10  }
0x5e: {  	[tilespmem:s13+$0x4350] =	vst v2;
	v1 =	vmax.f32 v1, $0.0e+00;
	s14 =	ssub.s32 s12, s14  }
0x5f: {  	[tilespmem:s13+$0x4360] =	vst v1;
	v0 =	vmax.f32 v0, $0.0e+00;
	s14 =	sshll.u32 s14, $0x7  }
0x60: {  	[tilespmem:s13+$0x4370] =	vst v0;
	s13 =	sshllo.u32 s8, $0x1;
	s14 =	sadd.s32 $0x180, s14  }
0x61: {  	[spmem:s6] =	stream.indirect.scatter.add.f32 [tilespmem:s29], [sflag:$0x6], $0x80, s14, s24, $0xb8;
	[tilespmem:$0x1FF00] =	vst v63  }
0x62: {  	p0 =	sge.u32 s13, s11  }
0x63: {  	s14 =	sshll.u32 @!p0 s13, $0xE  }
0x64: {  	s14 =	sadd.s32 @!p0 s18, s14  }
0x65: {  	s14 =	sshrl.u32 @!p0 s14, $0x3  }
0x66: {  	s15 =	simm.s32 @!p0 $0x0;
	s16 =	simm.s32 @!p0 $0x300;
	s14 =	sadd.s32 @!p0 s2, s14  }
0x67: {  	[tilespmem:s16], [sflag:$0x3] =	stream.linear.gather @!p0 [hbm4b:s14+s15], $0x4000, $0x38;
	[tilespmem:$0x1FF00] =	vst v63  }
0x68: {  	s14 =	simm.s32 @!p0 $0x2  }
0x69: {  	_ =	swait.ge @!p0 [sflag:s14], $0x80  }
0x6a: {  	[sflag:s14] =	ssyncset.done @!p0 $0x0  }
0x6b: {  	s19 =	smulhi.u32 $0xAAAAAAAB, s13;
	[sflag:s14] =	ssyncadd.s32 @!p0 $0xFFFFFF80  }
0x6c: {  	p1 =	seq.s32 @!p0 s8, $0x0;
	_ =	swait.ge @!p0 [sflag:s14], $0x80  }
0x6d: {  	p1 =	por p1, p0;
	s15 =	sshrl.u32 s19, $0x1;
	[sflag:s14] =	ssyncset.done @!p0 $0x0  }
0x6e: {  	s15 =	smul.u32 $0x3, s15;
	[sflag:s14] =	ssyncadd.s32 @!p0 $0xFFFFFF80;
	s14 =	simm.s32 @!p1 $0x7  }
0x6f: {  	_ =	swait.ge @!p1 [sflag:s14], $0x4000  }
0x70: {  	s15 =	ssub.s32 s13, s15;
	[sflag:s14] =	ssyncset.done @!p1 $0x0  }
0x71: {  	s16 =	simm.s32 @!p0 $0x80;
	[sflag:s14] =	ssyncadd.s32 @!p1 $0xFFFFC000;
	s14 =	sshll.u32 @!p0 s15, $0x7  }
0x72: {  	s19 =	simm.s32 @!p0 $0x8300;
	s13 =	sadd.s32 $0x2, s12;
	s14 =	sand.u32 @!p0 $0x3FFFFF80, s14  }
0x73: {  	[tilespmem:s19], [sflag:$0x5] =	stream.indirect.gather @!p0 [hbm4b:s0+s16], $0x80, s14, s16, $0xb8;
	[tilespmem:$0x1FF00] =	vst v63  }
0x74: {  	s20 =	smulhi.u32 $0xAAAAAAAB, s13;
	p0 =	sge.u32 s13, s11  }
0x75: {  	s16 =	sadd.s32 @!p0 s10, s13  }
0x76: {  	s14 =	sshrl.u32 s20, $0x1;
	s19 =	sshll.u32 @!p0 s13, $0x7;
	s16 =	sshll.u32 @!p0 s16, $0x7  }
0x77: {  	s14 =	smul.u32 $0x3, s14;
	s19 =	sand.u32 @!p0 $0x300, s19;
	s16 =	sand.u32 @!p0 $0x7FFFFC00, s16  }
0x78: {  	s16 =	sor.u32 @!p0 s19, s16  }
0x79: {  	s14 =	ssub.s32 s13, s14;
	s16 =	sshrl.u32 @!p0 s16, $0x3  }
0x7a: {  	s20 =	simm.s32 @!p0 $0x0;
	s14 =	sshll.u32 @!p0 s14, $0x7;
	s19 =	sadd.s32 @!p0 s3, s16  }
0x7b: {  	[tilespmem:s14], [sflag:$0x1] =	stream.linear.gather @!p0 [hbm4b:s19+s20], $0x80, $0x38;
	[tilespmem:$0x1FF00] =	vst v63  }
0x7c: {  	s16 =	sadd.s32 @!p0 s4, s16;
	s19 =	sadd.s32 @!p0 $0x180, s14  }
0x7d: {  	[tilespmem:s19], [sflag:$0x1] =	stream.linear.gather @!p0 [hbm4b:s16+s20], $0x80, $0x38;
	[tilespmem:$0x1FF00] =	vst v63  }
0x7e: {  	_ =	swait.ge [sflag:s1], $0x4000  }
0x7f: {  	[sflag:s1] =	ssyncset.done $0x0  }
0x80: {  	[sflag:s1] =	ssyncadd.s32 $0xFFFFC000  }
0x81: {  	_ =	swait.ge [sflag:s31], $0x4000  }
0x82: {  	[sflag:s31] =	ssyncset.done $0x0  }
0x83: {  	s16 =	simm.s32 $0x0;
	[sflag:s31] =	ssyncadd.s32 $0xFFFFC000  }
0x84: {  	v6 =	vld [tilespmem:s16+$0x300]  }
0x85: {  	v11 =	vld [tilespmem:s16+$0x310]  }
0x86: {  	v5 =	vld [tilespmem:s16+$0x320]  }
0x87: {  	v4 =	vld [tilespmem:s16+$0x330]  }
0x88: {  	v3 =	vld [tilespmem:s16+$0x340]  }
0x89: {  	v2 =	vld [tilespmem:s16+$0x350]  }
0x8a: {  	v1 =	vld [tilespmem:s16+$0x360]  }
0x8b: {  	v0 =	vld [tilespmem:s16+$0x370]  }
0x8c: {  	v12 =	vld [tilespmem:s16+$0x8300]  }
0x8d: {  	v13 =	vld [tilespmem:s16+$0x8310]  }
0x8e: {  	v10 =	vld [tilespmem:s16+$0x8320]  }
0x8f: {  	v9 =	vld [tilespmem:s16+$0x8330]  }
0x90: {  	v8 =	vld [tilespmem:s16+$0x8340]  }
0x91: {  	v7 =	vld [tilespmem:s16+$0x8350];
	v12 =	vadd.f32 v6, v12  }
0x92: {  	s19 =	simm.s32 $0x200;
	v11 =	vadd.f32 v11, v13;
	v6 =	vld [tilespmem:s16+$0x8360]  }
.LBB2_5:
0x93: {  	s20 =	sshra.s32 s19, $0x2;
	p1 =	sne.s32 s19, $0xFE00;
	v12 =	vmax.f32 v12, $0.0e+00;
	v5 =	vadd.f32 v5, v10;
	v10 =	vld [tilespmem:s16+$0x8370]  }
0x94: {  	v13 =	vld [tilespmem:s20+$0x300];
	[tilespmem:s16+$0x8300] =	vst v12;
	v11 =	vmax.f32 v11, $0.0e+00;
	v4 =	vadd.f32 v4, v9  }
0x95: {  	v14 =	vld [tilespmem:s20+$0x310];
	[tilespmem:s16+$0x8310] =	vst v11;
	v9 =	vmax.f32 v5, $0.0e+00;
	v3 =	vadd.f32 v3, v8  }
0x96: {  	v5 =	vld [tilespmem:s20+$0x320];
	[tilespmem:s16+$0x8320] =	vst v9;
	v8 =	vmax.f32 v4, $0.0e+00;
	v2 =	vadd.f32 v2, v7  }
0x97: {  	v4 =	vld [tilespmem:s20+$0x330];
	[tilespmem:s16+$0x8330] =	vst v8;
	v7 =	vmax.f32 v3, $0.0e+00;
	v1 =	vadd.f32 v1, v6  }
0x98: {  	v3 =	vld [tilespmem:s20+$0x340];
	[tilespmem:s16+$0x8340] =	vst v7;
	v6 =	vmax.f32 v2, $0.0e+00;
	v0 =	vadd.f32 v0, v10  }
0x99: {  	v2 =	vld [tilespmem:s20+$0x350];
	[tilespmem:s16+$0x8350] =	vst v6;
	v6 =	vmax.f32 v1, $0.0e+00  }
0x9a: {  	v1 =	vld [tilespmem:s20+$0x360];
	[tilespmem:s16+$0x8360] =	vst v6;
	v6 =	vmax.f32 v0, $0.0e+00  }
0x9b: {  	v0 =	vld [tilespmem:s20+$0x370];
	[tilespmem:s16+$0x8370] =	vst v6;
	s16 =	smov.u32 s20  }
0x9c: {  	v6 =	vld [tilespmem:s16+$0x8300]  }
0x9d: {  	v11 =	vld [tilespmem:s16+$0x8310]  }
.Ltmp1:
0x9e: {  	v10 =	vld [tilespmem:s16+$0x8320];
	(pc) =	sbr.rel @p1 .LBB2_5-.Ltmp1, $4  }
0x9f: {  	v9 =	vld [tilespmem:s16+$0x8330]  }
0xa0: {  	v8 =	vld [tilespmem:s16+$0x8340]  }
0xa1: {  	v12 =	vadd.f32 v13, v6;
	v7 =	vld [tilespmem:s16+$0x8350]  }
0xa2: {  	s19 =	sadd.s32 $0x200, s19;
	v11 =	vadd.f32 v14, v11;
	v6 =	vld [tilespmem:s16+$0x8360]  }
0xa3: {  	v12 =	vmax.f32 v12, $0.0e+00;
	v5 =	vadd.f32 v5, v10;
	v63 =	vld [tilespmem:s16+$0x8370]  }
0xa4: {  	[tilespmem:s16+$0x8300] =	vst v12;
	v11 =	vmax.f32 v11, $0.0e+00;
	v4 =	vadd.f32 v4, v9  }
0xa5: {  	[tilespmem:s16+$0x8310] =	vst v11;
	v5 =	vmax.f32 v5, $0.0e+00;
	v3 =	vadd.f32 v3, v8  }
0xa6: {  	[tilespmem:s16+$0x8320] =	vst v5;
	v4 =	vmax.f32 v4, $0.0e+00;
	v2 =	vadd.f32 v2, v7  }
0xa7: {  	[tilespmem:s16+$0x8330] =	vst v4;
	v3 =	vmax.f32 v3, $0.0e+00;
	v1 =	vadd.f32 v1, v6  }
0xa8: {  	[tilespmem:s16+$0x8340] =	vst v3;
	v2 =	vmax.f32 v2, $0.0e+00;
	v0 =	vadd.f32 v0, v63  }
0xa9: {  	s15 =	sshll.u32 s15, $0x7;
	s13 =	sshll.u32 @!p0 s13, $0xE;
	[tilespmem:s16+$0x8350] =	vst v2;
	v1 =	vmax.f32 v1, $0.0e+00  }
0xaa: {  	s15 =	sand.u32 $0x3FFFFF80, s15;
	s13 =	sadd.s32 @!p0 s18, s13;
	[tilespmem:s16+$0x8360] =	vst v1;
	v0 =	vmax.f32 v0, $0.0e+00  }
0xab: {  	s15 =	sadd.s32 $0x180, s15;
	s13 =	sshrl.u32 @!p0 s13, $0x3;
	[tilespmem:s16+$0x8370] =	vst v0  }
0xac: {  	[spmem:s6] =	stream.indirect.scatter.add.f32 [tilespmem:s5], [sflag:$0x7], $0x80, s15, s24, $0xb8;
	[tilespmem:$0x1FF00] =	vst v63  }
0xad: {  	s13 =	sadd.s32 @!p0 s2, s13;
	s16 =	simm.s32 @!p0 $0x300;
	s15 =	simm.s32 @!p0 $0x0  }
0xae: {  	[tilespmem:s16], [sflag:$0x3] =	stream.linear.gather @!p0 [hbm4b:s13+s15], $0x4000, $0x38;
	[tilespmem:$0x1FF00] =	vst v63  }
0xaf: {  	s13 =	simm.s32 @!p0 $0x1  }
0xb0: {  	_ =	swait.ge @!p0 [sflag:s13], $0x80  }
0xb1: {  	[sflag:s13] =	ssyncset.done @!p0 $0x0  }
0xb2: {  	[sflag:s13] =	ssyncadd.s32 @!p0 $0xFFFFFF80  }
0xb3: {  	_ =	swait.ge @!p0 [sflag:s13], $0x80  }
0xb4: {  	[sflag:s13] =	ssyncset.done @!p0 $0x0  }
0xb5: {  	[sflag:s13] =	ssyncadd.s32 @!p0 $0xFFFFFF80;
	s13 =	simm.s32 @!p0 $0x6  }
0xb6: {  	_ =	swait.ge @!p0 [sflag:s13], $0x4000  }
0xb7: {  	s12 =	sadd.s32 $0x3, s12;
	s15 =	simm.s32 @!p0 $0x4300;
	[sflag:s13] =	ssyncset.done @!p0 $0x0  }
0xb8: {  	[sflag:s13] =	ssyncadd.s32 @!p0 $0xFFFFC000;
	s13 =	sand.u32 @!p0 $0x3FFFFF80, s14;
	s14 =	simm.s32 @!p0 $0x80  }
0xb9: {  	[tilespmem:s15], [sflag:$0x4] =	stream.indirect.gather @!p0 [hbm4b:s0+s14], $0x80, s13, s14, $0xb8;
	[tilespmem:$0x1FF00] =	vst v63  }
0xba: {  	s20 =	smulhi.u32 $0xAAAAAAAB, s12;
	p0 =	sge.u32 s12, s11  }
0xbb: {  	s14 =	sadd.s32 @!p0 s10, s12  }
0xbc: {  	s13 =	sshrl.u32 s20, $0x1;
	s15 =	sshll.u32 @!p0 s12, $0x7;
	s14 =	sshll.u32 @!p0 s14, $0x7  }
0xbd: {  	s13 =	smul.u32 $0x3, s13;
	s15 =	sand.u32 @!p0 $0x380, s15;
	s14 =	sand.u32 @!p0 $0x7FFFFC00, s14  }
0xbe: {  	s14 =	sor.u32 @!p0 s15, s14  }
0xbf: {  	s12 =	ssub.s32 s12, s13;
	s13 =	sshrl.u32 @!p0 s14, $0x3  }
0xc0: {  	s12 =	sshll.u32 @!p0 s12, $0x7;
	s15 =	simm.s32 @!p0 $0x0;
	s14 =	sadd.s32 @!p0 s3, s13  }
0xc1: {  	[tilespmem:s12], [sflag:$0x2] =	stream.linear.gather @!p0 [hbm4b:s14+s15], $0x80, $0x38;
	[tilespmem:$0x1FF00] =	vst v63  }
0xc2: {  	s8 =	sadd.s32 $0x1, s8;
	s13 =	sadd.s32 @!p0 s4, s13;
	s12 =	sadd.s32 @!p0 $0x180, s12  }
0xc3: {  	[tilespmem:s12], [sflag:$0x2] =	stream.linear.gather @!p0 [hbm4b:s13+s15], $0x80, $0x38;
	[tilespmem:$0x1FF00] =	vst v63  }
0xc4: {  	p0 =	sne.s32 s8, s17  }
.Ltmp2:
0xc5: {  	_ = 	snop;
	(pc) =	sbr.rel @p0 .LBB2_2-.Ltmp2, $1  }
0xc6: {  	_ =	sdelay $0x3  }
0xc7: {  	_ =	swait.ge [sflag:s23], $0x4000  }
0xc8: {  	[sflag:s23] =	ssyncset.done $0x0  }
0xc9: {  	[sflag:s23] =	ssyncadd.s32 $0xFFFFC000  }
0xca: {  	_ =	swait.ge [sflag:s25], $0x4000  }
0xcb: {  	[sflag:s25] =	ssyncset.done $0x0  }
0xcc: {  	[sflag:s25] =	ssyncadd.s32 $0xFFFFC000  }
0xcd: {  	[bflag:$0x0] =	sbarrier.arrive $0xFFFF  }
0xce: {  	s8 =	rddreg [dreg:$0xe]  }
0xcf: {  	[hbm:s8], [sflag:s9] =	dma.local [spmem:s21], $0x2780  }
0xd0: {  	_ =	swait.ge [sflag:s22], $0x2780  }
0xd1: {  	s26 =	sadd.s32 $0x1, s26;
	s20 =	rddreg [dreg:$0xf]  }
0xd2: {  	p0 =	sne.s32 s26, s20  }
.Ltmp3:
0xd3: {  	_ = 	snop;
	(pc) =	sbr.rel @p0 .LBB2_1-.Ltmp3, $3  }
0xd4: {  	_ =	sdelay $0x1  }
0xd5: {  	[sflag:s22] =	ssyncset.done $0x0  }
0xd6: {  	[sflag:s22] =	ssyncadd.s32 $0xFFFFD880  }
0xd7: {  	_ =	sfence.sel $0x180000  }
0xd8: {  	[bflag:$0x0] =	sbarrier.arrive $0xFFFF  }
0xd9: {  	_ =	strace $0x90000047  }
0xda: {  	s0 =	stileid.u32;
	[bflag:$0x2] =	sbarrier.arrive $0xFFFF  }
0xdb: {  	p0 =	sne.s32 s0, $0x0;
	s0 =	rddreg [dreg:$0x7]  }
0xdc: {  	s0 =	sadd.s32 @!p0 $0x100000, s0  }
0xdd: {  	[sflag:s0] =	ssyncadd.tile.s32 @!p0 $0x1;
	_ =	shalt  }
.Lfunc_end2:
_tile_overlayer_lowered:
.L_overlay_start_2:
0xde: {  	(tag) =	ssettag $0x2  }
0xdf: {  	s0 =	rddreg [dreg:$0x0];
	s2 =	stileid.u32  }
0xe0: {  	s1 =	rddreg [dreg:$0x1];
	p0 =	sne.s32 s2, $0x0  }
0xe1: {  	s3 =	rddreg [dreg:$0x2];
	[bflag:$0x3] =	sbarrier.arrive $0xFFFF;
	s2 =	simm.s32 @!p0 $0x1C08  }
0xe2: {  	[timem:s3], [sflag:s2] =	dma.local @!p0 [hbm:s0], s1  }
0xe3: {  	s0 =	simm.s32 @!p0 $0x8  }
0xe4: {  	_ =	swait.ge @!p0 [sflag:s0], s1  }
0xe5: {  	s1 =	ssub.s32 @!p0 $0x0, s1;
	[sflag:s0] =	ssyncset.done @!p0 $0x0  }
0xe6: {  	[sflag:s0] =	ssyncadd.s32 @!p0 s1  }
0xe7: {  	[bflag:$0x3] =	sbarrier.arrive $0xFFFF  }
0xe8: {  	_ =	shalt  }

</sc_bundles>
